<compile_context>
chip_gen: v7x
topology: tpu7x:2x2x1
jax: 0.10.2.dev20260603
libtpu: 0.0.44.dev20260713+nightly
codegen_flags: <defaults>
</compile_context>

<pallas_src>
import functools

import jax
import jax.numpy as jnp
from jax import lax
from jax.experimental import pallas as pl
from jax.experimental.pallas import tpu as pltpu
from jax.experimental.pallas import tpu_sc as plsc

NC = 2
NS = 16
NW = NC * NS
L = 16


def _make_mesh():
    return plsc.VectorSubcoreMesh(
        core_axis_name="c", subcore_axis_name="s",
        num_cores=NC, num_subcores=NS)


def _make_deg_kernel(N, E):
    VPT = E // (NW * L)

    @functools.partial(
        pl.kernel, mesh=_make_mesh(),
        out_type=jax.ShapeDtypeStruct((NW * N,), jnp.float32),
        scratch_types=[
            pltpu.VMEM((VPT, L), jnp.int32),
            pltpu.VMEM((N,), jnp.float32),
        ],
        compiler_params=pltpu.CompilerParams(needs_layout_passes=False),
    )
    def deg_kernel(dst_hbm, out_hbm, idx_v, hist_v):
        wid = lax.axis_index("c") * NS + lax.axis_index("s")
        pltpu.sync_copy(dst_hbm.at[wid], idx_v)

        zero = jnp.zeros((L,), jnp.float32)

        def zstep(r, carry):
            hist_v[pl.ds(r * L, L)] = zero
            return carry
        lax.fori_loop(0, N // L, zstep, 0)

        ones = jnp.ones((L,), jnp.float32)

        def step(t, carry):
            plsc.addupdate_scatter(hist_v, [idx_v[t]], ones)
            return carry
        lax.fori_loop(0, VPT, step, 0)

        pltpu.sync_copy(hist_v, out_hbm.at[pl.ds(wid * N, N)])

    return deg_kernel


def _make_agg_kernel(NP, E, B):
    KPT = E // (NW * B)
    RPT = NP // NS

    assert KPT % 2 == 0

    @functools.partial(
        pl.kernel, mesh=_make_mesh(),
        out_type=jax.ShapeDtypeStruct((NC, NP, L), jnp.float32),
        scratch_types=[
            pltpu.VMEM((KPT, B), jnp.int32),
            pltpu.VMEM((KPT, B), jnp.int32),
            pltpu.VMEM((B, L), jnp.float32),
            pltpu.VMEM((B, L), jnp.float32),
            pltpu.VMEM((RPT, L), jnp.float32),
            pltpu.VMEM_SHARED((NP, L), jnp.float32),
            pltpu.VMEM_SHARED((NP, L), jnp.float32),
            pltpu.SemaphoreType.DMA,
            pltpu.SemaphoreType.DMA,
        ],
        compiler_params=pltpu.CompilerParams(
            needs_layout_passes=False, use_tc_tiling_on_sc=False),
    )
    def agg_kernel(hs_hbm, src_hbm, dst_hbm, out_hbm,
                   sidx, didx, rows0, rows1, zbuf, acc, hs_s, sem0, sem1):
        cid = lax.axis_index("c")
        sid = lax.axis_index("s")
        wid = cid * NS + sid

        pltpu.sync_copy(src_hbm.at[wid], sidx)
        pltpu.sync_copy(dst_hbm.at[wid], didx)
        pltpu.sync_copy(hs_hbm.at[pl.ds(sid * RPT, RPT)],
                        hs_s.at[pl.ds(sid * RPT, RPT)])

        zero = jnp.zeros((L,), jnp.float32)

        def zstep(r, carry):
            zbuf[r] = zero
            return carry
        lax.fori_loop(0, RPT, zstep, 0)
        pltpu.sync_copy(zbuf, acc.at[pl.ds(sid * RPT, RPT)])
        plsc.subcore_barrier()

        pltpu.async_copy(hs_s.at[sidx.at[0]], rows0, sem0)
        pltpu.async_copy(hs_s.at[sidx.at[1]], rows1, sem1)

        def step(jj, carry):
            j0 = 2 * jj
            pltpu.make_async_copy(hs_s.at[sidx.at[j0]], rows0,
                                  sem0).wait()
            pltpu.sync_copy(rows0, acc.at[didx.at[j0]], add=True)

            @pl.when(jj < KPT // 2 - 1)
            def _():
                pltpu.async_copy(hs_s.at[sidx.at[j0 + 2]], rows0, sem0)

            pltpu.make_async_copy(hs_s.at[sidx.at[j0 + 1]], rows1,
                                  sem1).wait()
            pltpu.sync_copy(rows1, acc.at[didx.at[j0 + 1]], add=True)

            @pl.when(jj < KPT // 2 - 1)
            def _():
                pltpu.async_copy(hs_s.at[sidx.at[j0 + 3]], rows1, sem1)
            return carry
        lax.fori_loop(0, KPT // 2, step, 0)

        plsc.subcore_barrier()
        pltpu.sync_copy(acc.at[pl.ds(sid * RPT, RPT)],
                        out_hbm.at[cid, pl.ds(sid * RPT, RPT)])

    return agg_kernel


def _dense1(deg2d, x, W1, NP):
    N = x.shape[0]
    H = W1.shape[1]
    NWd = deg2d.shape[0]

    def body(deg_ref, x_ref, w_ref, dinv_ref, hs1_ref):
        ones_v = jnp.ones((NWd, 1), jnp.float32)
        deg = lax.dot_general(
            deg_ref[...], ones_v, (((0,), (0,)), ((), ())),
            preferred_element_type=jnp.float32) + 1.0
        dinv = lax.rsqrt(deg)
        h1 = jnp.dot(x_ref[...], w_ref[...],
                     preferred_element_type=jnp.float32)
        dinv_ref[...] = dinv
        hs1_ref[pl.ds(0, N), :] = h1 * dinv

    return pl.pallas_call(
        body,
        out_shape=(
            jax.ShapeDtypeStruct((N, 1), jnp.float32),
            jax.ShapeDtypeStruct((NP, H), jnp.float32),
        ),
    )(deg2d, x, W1)


def _dense2(p1, hs1, dinv, b1, N):
    NP, H = hs1.shape

    def body(p_ref, hs1_ref, dinv_ref, b1_ref, hs2_ref):
        dv = dinv_ref[...]
        psum = p_ref[0, pl.ds(0, N), :] + p_ref[1, pl.ds(0, N), :] \
            + hs1_ref[pl.ds(0, N), :]
        a1 = jnp.maximum(dv * psum + b1_ref[...], 0.0)
        hs2_ref[pl.ds(0, N), :] = a1 * dv

    return pl.pallas_call(
        body,
        out_shape=jax.ShapeDtypeStruct((NP, H), jnp.float32),
    )(p1, hs1, dinv, b1)


def _dense3(p2, hs2, dinv, W2, b2, N):
    C = W2.shape[1]

    def body(p_ref, hs2_ref, dinv_ref, w2_ref, b2_ref, out_ref):
        dv = dinv_ref[...]
        psum = p_ref[0, pl.ds(0, N), :] + p_ref[1, pl.ds(0, N), :] \
            + hs2_ref[pl.ds(0, N), :]
        pre2 = dv * psum
        o = jnp.dot(pre2, w2_ref[...],
                    preferred_element_type=jnp.float32) + b2_ref[...]
        m = jnp.max(o, axis=1, keepdims=True)
        z = o - m
        out_ref[...] = z - jnp.log(
            jnp.sum(jnp.exp(z), axis=1, keepdims=True))

    return pl.pallas_call(
        body,
        out_shape=jax.ShapeDtypeStruct((N, C), jnp.float32),
    )(p2, hs2, dinv, W2, b2)


def kernel(x, edge_index, W1, b1, W2, b2):
    N, F = x.shape
    H = W1.shape[1]
    C = W2.shape[1]
    E = edge_index.shape[1]
    B = 125

    assert H == L and N % L == 0 and N % NS == 0 \
        and E % (NW * B) == 0 and E % (NW * L) == 0

    NP = -(-N // (NS * 8)) * (NS * 8)

    src = edge_index[0].astype(jnp.int32)
    dst = edge_index[1].astype(jnp.int32)
    dst16 = dst.reshape(NW, E // (NW * L), L)
    srcB = src.reshape(NW, E // (NW * B), B)
    dstB = dst.reshape(NW, E // (NW * B), B)

    deg_parts = _make_deg_kernel(N, E)(dst16)
    deg2d = deg_parts.reshape(NW, N)

    dinv, hs1 = _dense1(deg2d, x, W1, NP)

    agg = _make_agg_kernel(NP, E, B)
    p1 = agg(hs1, srcB, dstB)
    hs2 = _dense2(p1, hs1, dinv, b1.reshape(1, H), N)

    p2 = agg(hs2, srcB, dstB)
    out = _dense3(p2, hs2, dinv, W2, b2.reshape(1, C), N)
    return out

# --- scband reference (transcript-rebuilt; emitter-appended) ---
"""Pipeline reference for scband-py-ggcn-87230785782111 (READ-ONLY COPY).

The authoritative reference and input builder live on the scoring server;
editing this copy changes nothing except your own understanding.
"""

import jax, jax.numpy as jnp
import numpy as np


def setup_inputs(seed: int = 0):
    key = jax.random.key(seed)
    ks = jax.random.split(key, 6)
    N, E, F, H, C = 10000, 320000, 128, 16, 64
    x = jax.random.normal(ks[0], (N, F), dtype=jnp.float32)
    edge_index = jax.random.randint(ks[1], (2, E), 0, N)
    W1 = jax.random.normal(ks[2], (F, H), dtype=jnp.float32) * (1.0 / np.sqrt(F))
    b1 = jnp.zeros((H,), dtype=jnp.float32)
    W2 = jax.random.normal(ks[3], (H, C), dtype=jnp.float32) * (1.0 / np.sqrt(H))
    b2 = jnp.zeros((C,), dtype=jnp.float32)
    return {"x": x, "edge_index": edge_index, "W1": W1, "b1": b1, "W2": W2, "b2": b2}


def reference(x, edge_index, W1, b1, W2, b2):
    N = x.shape[0]
    loops = jnp.arange(N, dtype=edge_index.dtype)
    src = jnp.concatenate([edge_index[0], loops])
    dst = jnp.concatenate([edge_index[1], loops])

    def gcn_conv(h, W, b):
        h = h @ W
        ones = jnp.ones(src.shape[0], dtype=h.dtype)
        deg = jnp.zeros((N,), dtype=h.dtype).at[dst].add(ones)
        dinv = jnp.where(deg > 0, 1.0 / jnp.sqrt(jnp.where(deg > 0, deg, 1.0)), 0.0)
        norm = dinv[src] * dinv[dst]
        msg = h[src] * norm[:, None]
        out = jnp.zeros((N, h.shape[1]), dtype=h.dtype).at[dst].add(msg)
        return out + b

    h = jax.nn.relu(gcn_conv(x, W1, b1))
    h = gcn_conv(h, W2, b2)
    return jax.nn.log_softmax(h, axis=1)

if __name__ == "__main__":
    import jax
    _d = setup_inputs()
    print(jax.jit(kernel)(*tuple(_d.values())))

</pallas_src>

<mosaic_0001>
#map = affine_map<(d0, d1) -> (0, 0)>
#map1 = affine_map<(d0, d1) -> (0, 0, 0)>
module attributes {stable_mosaic.version = 14 : i64} {
  func.func @agg_kernel(%arg0: i32, %arg1: i32, %arg2: memref<10112x16xf32, #tpu.memory_space<hbm>>, %arg3: memref<32x80x125xi32, #tpu.memory_space<hbm>>, %arg4: memref<32x80x125xi32, #tpu.memory_space<hbm>>, %arg5: memref<2x10112x16xf32, #tpu.memory_space<hbm>>, %arg6: memref<80x125xi32, #tpu.memory_space<vmem>>, %arg7: memref<80x125xi32, #tpu.memory_space<vmem>>, %arg8: memref<125x16xf32, #tpu.memory_space<vmem>>, %arg9: memref<125x16xf32, #tpu.memory_space<vmem>>, %arg10: memref<632x16xf32, #tpu.memory_space<vmem>>, %arg11: memref<10112x16xf32, #tpu.memory_space<vmem_shared>>, %arg12: memref<10112x16xf32, #tpu.memory_space<vmem_shared>>, %arg13: memref<!tpu.dma_semaphore, #tpu.memory_space<semaphore_mem>>, %arg14: memref<!tpu.dma_semaphore, #tpu.memory_space<semaphore_mem>>) attributes {dimension_semantics = [#tpu.dimension_semantics<core_parallel>, #tpu.dimension_semantics<subcore_parallel>], iteration_bounds = array<i64: 2, 16>, scalar_prefetch = 0 : i64, scratch_operands = 9 : i64, tpu.core_type = #tpu.core_type<sc_vector_subcore>, window_params = [{transform_indices = #map}, {transform_indices = #map1}, {transform_indices = #map1}, {transform_indices = #map1}]} {
    %mul3A = arith.constant 16 : i32
    %mul3A_0 = arith.muli %arg0, %mul3A : i32
    %add3A = arith.addi %mul3A_0, %arg1 : i32
    "tpu.region"() ({
      %run_scoped3A = tpu.sem_alloc : memref<!tpu.dma_semaphore, #tpu.memory_space<semaphore_mem>>
      %dma_start3A_37 = arith.constant 0 : i32
      %dma_start3A_38 = arith.constant 0 : i32
      %dma_start3A_39 = tpu.memref_slice %arg3[%add3A, %dma_start3A_37, %dma_start3A_38] : memref<32x80x125xi32, #tpu.memory_space<hbm>> -> memref<1x80x125xi32, #tpu.memory_space<hbm>>
      %dma_start3A_40 = tpu.memref_squeeze %dma_start3A_39 : memref<1x80x125xi32, #tpu.memory_space<hbm>> -> memref<80x125xi32, #tpu.memory_space<hbm>>
      %dma_start3A_41 = arith.constant 0 : i32
      %dma_start3A_42 = arith.constant 0 : i32
      %dma_start3A_43 = tpu.memref_slice %arg3[%add3A, %dma_start3A_41, %dma_start3A_42] : memref<32x80x125xi32, #tpu.memory_space<hbm>> -> memref<1x80x125xi32, #tpu.memory_space<hbm>>
      %dma_start3A_44 = tpu.memref_squeeze %dma_start3A_43 : memref<1x80x125xi32, #tpu.memory_space<hbm>> -> memref<80x125xi32, #tpu.memory_space<hbm>>
      tpu.enqueue_dma source(%dma_start3A_44 : memref<80x125xi32, #tpu.memory_space<hbm>>) target(%arg6 : memref<80x125xi32, #tpu.memory_space<vmem>>) target_semaphore(%run_scoped3A : memref<!tpu.dma_semaphore, #tpu.memory_space<semaphore_mem>>)
      %dma_wait3A = arith.constant 0 : i32
      %dma_wait3A_45 = arith.constant 0 : i32
      %dma_wait3A_46 = tpu.memref_slice %arg3[%add3A, %dma_wait3A, %dma_wait3A_45] : memref<32x80x125xi32, #tpu.memory_space<hbm>> -> memref<1x80x125xi32, #tpu.memory_space<hbm>>
      %dma_wait3A_47 = tpu.memref_squeeze %dma_wait3A_46 : memref<1x80x125xi32, #tpu.memory_space<hbm>> -> memref<80x125xi32, #tpu.memory_space<hbm>>
      %dma_wait3A_48 = arith.constant 0 : i32
      %dma_wait3A_49 = arith.constant 0 : i32
      %dma_wait3A_50 = tpu.memref_slice %arg3[%add3A, %dma_wait3A_48, %dma_wait3A_49] : memref<32x80x125xi32, #tpu.memory_space<hbm>> -> memref<1x80x125xi32, #tpu.memory_space<hbm>>
      %dma_wait3A_51 = tpu.memref_squeeze %dma_wait3A_50 : memref<1x80x125xi32, #tpu.memory_space<hbm>> -> memref<80x125xi32, #tpu.memory_space<hbm>>
      tpu.wait_dma2 semaphore(%run_scoped3A : memref<!tpu.dma_semaphore, #tpu.memory_space<semaphore_mem>>) src(%dma_wait3A_51 : memref<80x125xi32, #tpu.memory_space<hbm>>) dst(%arg6 : memref<80x125xi32, #tpu.memory_space<vmem>>)
      tpu.yield
    }) : () -> ()
    "tpu.region"() ({
      %run_scoped3A = tpu.sem_alloc : memref<!tpu.dma_semaphore, #tpu.memory_space<semaphore_mem>>
      %dma_start3A_37 = arith.constant 0 : i32
      %dma_start3A_38 = arith.constant 0 : i32
      %dma_start3A_39 = tpu.memref_slice %arg4[%add3A, %dma_start3A_37, %dma_start3A_38] : memref<32x80x125xi32, #tpu.memory_space<hbm>> -> memref<1x80x125xi32, #tpu.memory_space<hbm>>
      %dma_start3A_40 = tpu.memref_squeeze %dma_start3A_39 : memref<1x80x125xi32, #tpu.memory_space<hbm>> -> memref<80x125xi32, #tpu.memory_space<hbm>>
      %dma_start3A_41 = arith.constant 0 : i32
      %dma_start3A_42 = arith.constant 0 : i32
      %dma_start3A_43 = tpu.memref_slice %arg4[%add3A, %dma_start3A_41, %dma_start3A_42] : memref<32x80x125xi32, #tpu.memory_space<hbm>> -> memref<1x80x125xi32, #tpu.memory_space<hbm>>
      %dma_start3A_44 = tpu.memref_squeeze %dma_start3A_43 : memref<1x80x125xi32, #tpu.memory_space<hbm>> -> memref<80x125xi32, #tpu.memory_space<hbm>>
      tpu.enqueue_dma source(%dma_start3A_44 : memref<80x125xi32, #tpu.memory_space<hbm>>) target(%arg7 : memref<80x125xi32, #tpu.memory_space<vmem>>) target_semaphore(%run_scoped3A : memref<!tpu.dma_semaphore, #tpu.memory_space<semaphore_mem>>)
      %dma_wait3A = arith.constant 0 : i32
      %dma_wait3A_45 = arith.constant 0 : i32
      %dma_wait3A_46 = tpu.memref_slice %arg4[%add3A, %dma_wait3A, %dma_wait3A_45] : memref<32x80x125xi32, #tpu.memory_space<hbm>> -> memref<1x80x125xi32, #tpu.memory_space<hbm>>
      %dma_wait3A_47 = tpu.memref_squeeze %dma_wait3A_46 : memref<1x80x125xi32, #tpu.memory_space<hbm>> -> memref<80x125xi32, #tpu.memory_space<hbm>>
      %dma_wait3A_48 = arith.constant 0 : i32
      %dma_wait3A_49 = arith.constant 0 : i32
      %dma_wait3A_50 = tpu.memref_slice %arg4[%add3A, %dma_wait3A_48, %dma_wait3A_49] : memref<32x80x125xi32, #tpu.memory_space<hbm>> -> memref<1x80x125xi32, #tpu.memory_space<hbm>>
      %dma_wait3A_51 = tpu.memref_squeeze %dma_wait3A_50 : memref<1x80x125xi32, #tpu.memory_space<hbm>> -> memref<80x125xi32, #tpu.memory_space<hbm>>
      tpu.wait_dma2 semaphore(%run_scoped3A : memref<!tpu.dma_semaphore, #tpu.memory_space<semaphore_mem>>) src(%dma_wait3A_51 : memref<80x125xi32, #tpu.memory_space<hbm>>) dst(%arg7 : memref<80x125xi32, #tpu.memory_space<vmem>>)
      tpu.yield
    }) : () -> ()
    %mul3A_1 = arith.constant 632 : i32
    %mul3A_2 = arith.muli %arg1, %mul3A_1 : i32
    %mul3A_3 = arith.constant 632 : i32
    %mul3A_4 = arith.muli %arg1, %mul3A_3 : i32
    "tpu.region"() ({
      %run_scoped3A = tpu.sem_alloc : memref<!tpu.dma_semaphore, #tpu.memory_space<semaphore_mem>>
      %dma_start3A_37 = arith.constant 0 : i32
      %dma_start3A_38 = tpu.memref_slice %arg12[%mul3A_4, %dma_start3A_37] : memref<10112x16xf32, #tpu.memory_space<vmem_shared>> -> memref<632x16xf32, #tpu.memory_space<vmem_shared>>
      %dma_start3A_39 = arith.constant 0 : i32
      %dma_start3A_40 = tpu.memref_slice %arg2[%mul3A_2, %dma_start3A_39] : memref<10112x16xf32, #tpu.memory_space<hbm>> -> memref<632x16xf32, #tpu.memory_space<hbm>>
      tpu.enqueue_dma source(%dma_start3A_40 : memref<632x16xf32, #tpu.memory_space<hbm>>) target(%dma_start3A_38 : memref<632x16xf32, #tpu.memory_space<vmem_shared>>) target_semaphore(%run_scoped3A : memref<!tpu.dma_semaphore, #tpu.memory_space<semaphore_mem>>)
      %dma_wait3A = arith.constant 0 : i32
      %dma_wait3A_41 = tpu.memref_slice %arg12[%mul3A_4, %dma_wait3A] : memref<10112x16xf32, #tpu.memory_space<vmem_shared>> -> memref<632x16xf32, #tpu.memory_space<vmem_shared>>
      %dma_wait3A_42 = arith.constant 0 : i32
      %dma_wait3A_43 = tpu.memref_slice %arg2[%mul3A_2, %dma_wait3A_42] : memref<10112x16xf32, #tpu.memory_space<hbm>> -> memref<632x16xf32, #tpu.memory_space<hbm>>
      tpu.wait_dma2 semaphore(%run_scoped3A : memref<!tpu.dma_semaphore, #tpu.memory_space<semaphore_mem>>) src(%dma_wait3A_43 : memref<632x16xf32, #tpu.memory_space<hbm>>) dst(%dma_wait3A_41 : memref<632x16xf32, #tpu.memory_space<vmem_shared>>)
      tpu.yield
    }) : () -> ()
    %broadcast_in_dim3A = arith.constant 0.000000e+00 : f32
    %broadcast_in_dim3A_5 = vector.broadcast %broadcast_in_dim3A : f32 to vector<16xf32>
    %scan3A = arith.constant 0 : i32
    %scan3A_6 = arith.constant 0 : i32
    %scan3A_7 = arith.constant 632 : i32
    %scan3A_8 = arith.addi %scan3A_6, %scan3A_7 : i32
    %scan3A_9 = arith.constant 1 : i32
    scf.for %scan3A_37 = %scan3A_6 to %scan3A_8 step %scan3A_9  : i32 {
      %swap3A = arith.index_cast %scan3A_37 : i32 to index
      %swap3A_38 = arith.constant 0 : index
      %swap3A_39 = tpu.vector_load %arg10[%swap3A, %swap3A_38] {strides = array<i32>} : memref<632x16xf32, #tpu.memory_space<vmem>>, vector<16xf32>,
      tpu.vector_store %arg10[%swap3A, %swap3A_38], %broadcast_in_dim3A_5 {strides = array<i32>} : memref<632x16xf32, #tpu.memory_space<vmem>>, vector<16xf32>,
    }
    %scan3A_10 = arith.constant 632 : i32
    %mul3A_11 = arith.constant 632 : i32
    %mul3A_12 = arith.muli %arg1, %mul3A_11 : i32
    "tpu.region"() ({
      %run_scoped3A = tpu.sem_alloc : memref<!tpu.dma_semaphore, #tpu.memory_space<semaphore_mem>>
      %dma_start3A_37 = arith.constant 0 : i32
      %dma_start3A_38 = tpu.memref_slice %arg11[%mul3A_12, %dma_start3A_37] : memref<10112x16xf32, #tpu.memory_space<vmem_shared>> -> memref<632x16xf32, #tpu.memory_space<vmem_shared>>
      %dma_start3A_39 = arith.constant 0 : i32
      %dma_start3A_40 = tpu.memref_slice %arg11[%mul3A_12, %dma_start3A_39] : memref<10112x16xf32, #tpu.memory_space<vmem_shared>> -> memref<632x16xf32, #tpu.memory_space<vmem_shared>>
      tpu.enqueue_dma source(%arg10 : memref<632x16xf32, #tpu.memory_space<vmem>>) target(%dma_start3A_40 : memref<632x16xf32, #tpu.memory_space<vmem_shared>>) target_semaphore(%run_scoped3A : memref<!tpu.dma_semaphore, #tpu.memory_space<semaphore_mem>>)
      %dma_wait3A = arith.constant 0 : i32
      %dma_wait3A_41 = tpu.memref_slice %arg11[%mul3A_12, %dma_wait3A] : memref<10112x16xf32, #tpu.memory_space<vmem_shared>> -> memref<632x16xf32, #tpu.memory_space<vmem_shared>>
      %dma_wait3A_42 = arith.constant 0 : i32
      %dma_wait3A_43 = tpu.memref_slice %arg11[%mul3A_12, %dma_wait3A_42] : memref<10112x16xf32, #tpu.memory_space<vmem_shared>> -> memref<632x16xf32, #tpu.memory_space<vmem_shared>>
      tpu.wait_dma2 semaphore(%run_scoped3A : memref<!tpu.dma_semaphore, #tpu.memory_space<semaphore_mem>>) src(%arg10 : memref<632x16xf32, #tpu.memory_space<vmem>>) dst(%dma_wait3A_43 : memref<632x16xf32, #tpu.memory_space<vmem_shared>>)
      tpu.yield
    }) : () -> ()
    %barrier3A = arith.constant 0 : index
    tpu.barrier barrier_id(%barrier3A)
    %dma_start3A = arith.constant 0 : i32
    %dma_start3A_13 = arith.constant 0 : i32
    %dma_start3A_14 = tpu.memref_slice %arg6[%dma_start3A, %dma_start3A_13] : memref<80x125xi32, #tpu.memory_space<vmem>> -> memref<1x125xi32, #tpu.memory_space<vmem>>
    %dma_start3A_15 = tpu.memref_squeeze %dma_start3A_14 : memref<1x125xi32, #tpu.memory_space<vmem>> -> memref<125xi32, #tpu.memory_space<vmem>>
    %dma_start3A_16 = arith.constant 0 : i32
    %dma_start3A_17 = arith.constant 0 : i32
    %dma_start3A_18 = tpu.memref_slice %arg12[%dma_start3A_16, %dma_start3A_17] : memref<10112x16xf32, #tpu.memory_space<vmem_shared>> -> memref<10112x16xf32, #tpu.memory_space<vmem_shared>>
    tpu.enqueue_indirect_dma source(%dma_start3A_18 : memref<10112x16xf32, #tpu.memory_space<vmem_shared>>) target(%arg8 : memref<125x16xf32, #tpu.memory_space<vmem>>) offsets(%dma_start3A_15 : memref<125xi32, #tpu.memory_space<vmem>>) semaphore(%arg13 : memref<!tpu.dma_semaphore, #tpu.memory_space<semaphore_mem>>)
    %dma_start3A_19 = arith.constant 1 : i32
    %dma_start3A_20 = arith.constant 0 : i32
    %dma_start3A_21 = tpu.memref_slice %arg6[%dma_start3A_19, %dma_start3A_20] : memref<80x125xi32, #tpu.memory_space<vmem>> -> memref<1x125xi32, #tpu.memory_space<vmem>>
    %dma_start3A_22 = tpu.memref_squeeze %dma_start3A_21 : memref<1x125xi32, #tpu.memory_space<vmem>> -> memref<125xi32, #tpu.memory_space<vmem>>
    %dma_start3A_23 = arith.constant 0 : i32
    %dma_start3A_24 = arith.constant 0 : i32
    %dma_start3A_25 = tpu.memref_slice %arg12[%dma_start3A_23, %dma_start3A_24] : memref<10112x16xf32, #tpu.memory_space<vmem_shared>> -> memref<10112x16xf32, #tpu.memory_space<vmem_shared>>
    tpu.enqueue_indirect_dma source(%dma_start3A_25 : memref<10112x16xf32, #tpu.memory_space<vmem_shared>>) target(%arg9 : memref<125x16xf32, #tpu.memory_space<vmem>>) offsets(%dma_start3A_22 : memref<125xi32, #tpu.memory_space<vmem>>) semaphore(%arg14 : memref<!tpu.dma_semaphore, #tpu.memory_space<semaphore_mem>>)
    %scan3A_26 = arith.constant 0 : i32
    %scan3A_27 = arith.constant 0 : i32
    %scan3A_28 = arith.constant 40 : i32
    %scan3A_29 = arith.addi %scan3A_27, %scan3A_28 : i32
    %scan3A_30 = arith.constant 1 : i32
    scf.for %scan3A_37 = %scan3A_27 to %scan3A_29 step %scan3A_30  : i32 {
      %mul3A_38 = arith.constant 2 : i32
      %mul3A_39 = arith.muli %mul3A_38, %scan3A_37 : i32
      %dma_wait3A = arith.constant 0 : i32
      %dma_wait3A_40 = tpu.memref_slice %arg6[%mul3A_39, %dma_wait3A] : memref<80x125xi32, #tpu.memory_space<vmem>> -> memref<1x125xi32, #tpu.memory_space<vmem>>
      %dma_wait3A_41 = tpu.memref_squeeze %dma_wait3A_40 : memref<1x125xi32, #tpu.memory_space<vmem>> -> memref<125xi32, #tpu.memory_space<vmem>>
      %dma_wait3A_42 = arith.constant 0 : i32
      %dma_wait3A_43 = arith.constant 0 : i32
      %dma_wait3A_44 = tpu.memref_slice %arg12[%dma_wait3A_42, %dma_wait3A_43] : memref<10112x16xf32, #tpu.memory_space<vmem_shared>> -> memref<10112x16xf32, #tpu.memory_space<vmem_shared>>
      tpu.wait_indirect_dma semaphore(%arg13 : memref<!tpu.dma_semaphore, #tpu.memory_space<semaphore_mem>>) src(%dma_wait3A_44 : memref<10112x16xf32, #tpu.memory_space<vmem_shared>>) dst(%arg8 : memref<125x16xf32, #tpu.memory_space<vmem>>)
      "tpu.region"() ({
        %run_scoped3A = tpu.sem_alloc : memref<!tpu.dma_semaphore, #tpu.memory_space<semaphore_mem>>
        %dma_start3A_62 = arith.constant 0 : i32
        %dma_start3A_63 = tpu.memref_slice %arg7[%mul3A_39, %dma_start3A_62] : memref<80x125xi32, #tpu.memory_space<vmem>> -> memref<1x125xi32, #tpu.memory_space<vmem>>
        %dma_start3A_64 = tpu.memref_squeeze %dma_start3A_63 : memref<1x125xi32, #tpu.memory_space<vmem>> -> memref<125xi32, #tpu.memory_space<vmem>>
        %dma_start3A_65 = arith.constant 0 : i32
        %dma_start3A_66 = arith.constant 0 : i32
        %dma_start3A_67 = tpu.memref_slice %arg11[%dma_start3A_65, %dma_start3A_66] : memref<10112x16xf32, #tpu.memory_space<vmem_shared>> -> memref<10112x16xf32, #tpu.memory_space<vmem_shared>>
        tpu.enqueue_indirect_dma source(%arg8 : memref<125x16xf32, #tpu.memory_space<vmem>>) target(%dma_start3A_67 : memref<10112x16xf32, #tpu.memory_space<vmem_shared>>) offsets(%dma_start3A_64 : memref<125xi32, #tpu.memory_space<vmem>>) semaphore(%run_scoped3A : memref<!tpu.dma_semaphore, #tpu.memory_space<semaphore_mem>>) {add = true}
        %dma_wait3A_68 = arith.constant 0 : i32
        %dma_wait3A_69 = tpu.memref_slice %arg7[%mul3A_39, %dma_wait3A_68] : memref<80x125xi32, #tpu.memory_space<vmem>> -> memref<1x125xi32, #tpu.memory_space<vmem>>
        %dma_wait3A_70 = tpu.memref_squeeze %dma_wait3A_69 : memref<1x125xi32, #tpu.memory_space<vmem>> -> memref<125xi32, #tpu.memory_space<vmem>>
        %dma_wait3A_71 = arith.constant 0 : i32
        %dma_wait3A_72 = arith.constant 0 : i32
        %dma_wait3A_73 = tpu.memref_slice %arg11[%dma_wait3A_71, %dma_wait3A_72] : memref<10112x16xf32, #tpu.memory_space<vmem_shared>> -> memref<10112x16xf32, #tpu.memory_space<vmem_shared>>
        tpu.wait_indirect_dma semaphore(%run_scoped3A : memref<!tpu.dma_semaphore, #tpu.memory_space<semaphore_mem>>) src(%arg8 : memref<125x16xf32, #tpu.memory_space<vmem>>) dst(%dma_wait3A_73 : memref<10112x16xf32, #tpu.memory_space<vmem_shared>>)
        tpu.yield
      }) : () -> ()
      %lt3A = arith.constant 39 : i32
      %lt3A_45 = arith.cmpi slt, %scan3A_37, %lt3A : i32
      %convert_element_type3A = arith.extui %lt3A_45 : i1 to i32
      %cond3A = arith.constant 0 : i32
      %cond3A_46 = arith.cmpi ne, %convert_element_type3A, %cond3A : i32
      scf.if %cond3A_46 {
        %add3A_62 = arith.constant 2 : i32
        %add3A_63 = arith.addi %mul3A_39, %add3A_62 : i32
        %dma_start3A_64 = arith.constant 0 : i32
        %dma_start3A_65 = tpu.memref_slice %arg6[%add3A_63, %dma_start3A_64] : memref<80x125xi32, #tpu.memory_space<vmem>> -> memref<1x125xi32, #tpu.memory_space<vmem>>
        %dma_start3A_66 = tpu.memref_squeeze %dma_start3A_65 : memref<1x125xi32, #tpu.memory_space<vmem>> -> memref<125xi32, #tpu.memory_space<vmem>>
        %dma_start3A_67 = arith.constant 0 : i32
        %dma_start3A_68 = arith.constant 0 : i32
        %dma_start3A_69 = tpu.memref_slice %arg12[%dma_start3A_67, %dma_start3A_68] : memref<10112x16xf32, #tpu.memory_space<vmem_shared>> -> memref<10112x16xf32, #tpu.memory_space<vmem_shared>>
        tpu.enqueue_indirect_dma source(%dma_start3A_69 : memref<10112x16xf32, #tpu.memory_space<vmem_shared>>) target(%arg8 : memref<125x16xf32, #tpu.memory_space<vmem>>) offsets(%dma_start3A_66 : memref<125xi32, #tpu.memory_space<vmem>>) semaphore(%arg13 : memref<!tpu.dma_semaphore, #tpu.memory_space<semaphore_mem>>)
      } else {
      }
      %add3A_47 = arith.constant 1 : i32
      %add3A_48 = arith.addi %mul3A_39, %add3A_47 : i32
      %dma_wait3A_49 = arith.constant 0 : i32
      %dma_wait3A_50 = tpu.memref_slice %arg6[%add3A_48, %dma_wait3A_49] : memref<80x125xi32, #tpu.memory_space<vmem>> -> memref<1x125xi32, #tpu.memory_space<vmem>>
      %dma_wait3A_51 = tpu.memref_squeeze %dma_wait3A_50 : memref<1x125xi32, #tpu.memory_space<vmem>> -> memref<125xi32, #tpu.memory_space<vmem>>
      %dma_wait3A_52 = arith.constant 0 : i32
      %dma_wait3A_53 = arith.constant 0 : i32
      %dma_wait3A_54 = tpu.memref_slice %arg12[%dma_wait3A_52, %dma_wait3A_53] : memref<10112x16xf32, #tpu.memory_space<vmem_shared>> -> memref<10112x16xf32, #tpu.memory_space<vmem_shared>>
      tpu.wait_indirect_dma semaphore(%arg14 : memref<!tpu.dma_semaphore, #tpu.memory_space<semaphore_mem>>) src(%dma_wait3A_54 : memref<10112x16xf32, #tpu.memory_space<vmem_shared>>) dst(%arg9 : memref<125x16xf32, #tpu.memory_space<vmem>>)
      %add3A_55 = arith.constant 1 : i32
      %add3A_56 = arith.addi %mul3A_39, %add3A_55 : i32
      "tpu.region"() ({
        %run_scoped3A = tpu.sem_alloc : memref<!tpu.dma_semaphore, #tpu.memory_space<semaphore_mem>>
        %dma_start3A_62 = arith.constant 0 : i32
        %dma_start3A_63 = tpu.memref_slice %arg7[%add3A_56, %dma_start3A_62] : memref<80x125xi32, #tpu.memory_space<vmem>> -> memref<1x125xi32, #tpu.memory_space<vmem>>
        %dma_start3A_64 = tpu.memref_squeeze %dma_start3A_63 : memref<1x125xi32, #tpu.memory_space<vmem>> -> memref<125xi32, #tpu.memory_space<vmem>>
        %dma_start3A_65 = arith.constant 0 : i32
        %dma_start3A_66 = arith.constant 0 : i32
        %dma_start3A_67 = tpu.memref_slice %arg11[%dma_start3A_65, %dma_start3A_66] : memref<10112x16xf32, #tpu.memory_space<vmem_shared>> -> memref<10112x16xf32, #tpu.memory_space<vmem_shared>>
        tpu.enqueue_indirect_dma source(%arg9 : memref<125x16xf32, #tpu.memory_space<vmem>>) target(%dma_start3A_67 : memref<10112x16xf32, #tpu.memory_space<vmem_shared>>) offsets(%dma_start3A_64 : memref<125xi32, #tpu.memory_space<vmem>>) semaphore(%run_scoped3A : memref<!tpu.dma_semaphore, #tpu.memory_space<semaphore_mem>>) {add = true}
        %dma_wait3A_68 = arith.constant 0 : i32
        %dma_wait3A_69 = tpu.memref_slice %arg7[%add3A_56, %dma_wait3A_68] : memref<80x125xi32, #tpu.memory_space<vmem>> -> memref<1x125xi32, #tpu.memory_space<vmem>>
        %dma_wait3A_70 = tpu.memref_squeeze %dma_wait3A_69 : memref<1x125xi32, #tpu.memory_space<vmem>> -> memref<125xi32, #tpu.memory_space<vmem>>
        %dma_wait3A_71 = arith.constant 0 : i32
        %dma_wait3A_72 = arith.constant 0 : i32
        %dma_wait3A_73 = tpu.memref_slice %arg11[%dma_wait3A_71, %dma_wait3A_72] : memref<10112x16xf32, #tpu.memory_space<vmem_shared>> -> memref<10112x16xf32, #tpu.memory_space<vmem_shared>>
        tpu.wait_indirect_dma semaphore(%run_scoped3A : memref<!tpu.dma_semaphore, #tpu.memory_space<semaphore_mem>>) src(%arg9 : memref<125x16xf32, #tpu.memory_space<vmem>>) dst(%dma_wait3A_73 : memref<10112x16xf32, #tpu.memory_space<vmem_shared>>)
        tpu.yield
      }) : () -> ()
      %lt3A_57 = arith.constant 39 : i32
      %lt3A_58 = arith.cmpi slt, %scan3A_37, %lt3A_57 : i32
      %convert_element_type3A_59 = arith.extui %lt3A_58 : i1 to i32
      %cond3A_60 = arith.constant 0 : i32
      %cond3A_61 = arith.cmpi ne, %convert_element_type3A_59, %cond3A_60 : i32
      scf.if %cond3A_61 {
        %add3A_62 = arith.constant 3 : i32
        %add3A_63 = arith.addi %mul3A_39, %add3A_62 : i32
        %dma_start3A_64 = arith.constant 0 : i32
        %dma_start3A_65 = tpu.memref_slice %arg6[%add3A_63, %dma_start3A_64] : memref<80x125xi32, #tpu.memory_space<vmem>> -> memref<1x125xi32, #tpu.memory_space<vmem>>
        %dma_start3A_66 = tpu.memref_squeeze %dma_start3A_65 : memref<1x125xi32, #tpu.memory_space<vmem>> -> memref<125xi32, #tpu.memory_space<vmem>>
        %dma_start3A_67 = arith.constant 0 : i32
        %dma_start3A_68 = arith.constant 0 : i32
        %dma_start3A_69 = tpu.memref_slice %arg12[%dma_start3A_67, %dma_start3A_68] : memref<10112x16xf32, #tpu.memory_space<vmem_shared>> -> memref<10112x16xf32, #tpu.memory_space<vmem_shared>>
        tpu.enqueue_indirect_dma source(%dma_start3A_69 : memref<10112x16xf32, #tpu.memory_space<vmem_shared>>) target(%arg9 : memref<125x16xf32, #tpu.memory_space<vmem>>) offsets(%dma_start3A_66 : memref<125xi32, #tpu.memory_space<vmem>>) semaphore(%arg14 : memref<!tpu.dma_semaphore, #tpu.memory_space<semaphore_mem>>)
      } else {
      }
    }
    %scan3A_31 = arith.constant 40 : i32
    %barrier3A_32 = arith.constant 0 : index
    tpu.barrier barrier_id(%barrier3A_32)
    %mul3A_33 = arith.constant 632 : i32
    %mul3A_34 = arith.muli %arg1, %mul3A_33 : i32
    %mul3A_35 = arith.constant 632 : i32
    %mul3A_36 = arith.muli %arg1, %mul3A_35 : i32
    "tpu.region"() ({
      %run_scoped3A = tpu.sem_alloc : memref<!tpu.dma_semaphore, #tpu.memory_space<semaphore_mem>>
      %dma_start3A_37 = arith.constant 0 : i32
      %dma_start3A_38 = tpu.memref_slice %arg5[%arg0, %mul3A_36, %dma_start3A_37] : memref<2x10112x16xf32, #tpu.memory_space<hbm>> -> memref<1x632x16xf32, #tpu.memory_space<hbm>>
      %dma_start3A_39 = tpu.memref_squeeze %dma_start3A_38 : memref<1x632x16xf32, #tpu.memory_space<hbm>> -> memref<632x16xf32, #tpu.memory_space<hbm>>
      %dma_start3A_40 = arith.constant 0 : i32
      %dma_start3A_41 = tpu.memref_slice %arg11[%mul3A_34, %dma_start3A_40] : memref<10112x16xf32, #tpu.memory_space<vmem_shared>> -> memref<632x16xf32, #tpu.memory_space<vmem_shared>>
      tpu.enqueue_dma source(%dma_start3A_41 : memref<632x16xf32, #tpu.memory_space<vmem_shared>>) target(%dma_start3A_39 : memref<632x16xf32, #tpu.memory_space<hbm>>) target_semaphore(%run_scoped3A : memref<!tpu.dma_semaphore, #tpu.memory_space<semaphore_mem>>)
      %dma_wait3A = arith.constant 0 : i32
      %dma_wait3A_42 = tpu.memref_slice %arg5[%arg0, %mul3A_36, %dma_wait3A] : memref<2x10112x16xf32, #tpu.memory_space<hbm>> -> memref<1x632x16xf32, #tpu.memory_space<hbm>>
      %dma_wait3A_43 = tpu.memref_squeeze %dma_wait3A_42 : memref<1x632x16xf32, #tpu.memory_space<hbm>> -> memref<632x16xf32, #tpu.memory_space<hbm>>
      %dma_wait3A_44 = arith.constant 0 : i32
      %dma_wait3A_45 = tpu.memref_slice %arg11[%mul3A_34, %dma_wait3A_44] : memref<10112x16xf32, #tpu.memory_space<vmem_shared>> -> memref<632x16xf32, #tpu.memory_space<vmem_shared>>
      tpu.wait_dma2 semaphore(%run_scoped3A : memref<!tpu.dma_semaphore, #tpu.memory_space<semaphore_mem>>) src(%dma_wait3A_45 : memref<632x16xf32, #tpu.memory_space<vmem_shared>>) dst(%dma_wait3A_43 : memref<632x16xf32, #tpu.memory_space<hbm>>)
      tpu.yield
    }) : () -> ()
    return
  }
}

#map = affine_map<(d0, d1) -> (0, 0, 0)>
#map1 = affine_map<(d0, d1) -> (0)>
module attributes {stable_mosaic.version = 14 : i64} {
  func.func @deg_kernel(%arg0: i32, %arg1: i32, %arg2: memref<32x625x16xi32, #tpu.memory_space<hbm>>, %arg3: memref<320000xf32, #tpu.memory_space<hbm>>, %arg4: memref<625x16xi32, #tpu.memory_space<vmem>>, %arg5: memref<10000xf32, #tpu.memory_space<vmem>>) attributes {dimension_semantics = [#tpu.dimension_semantics<core_parallel>, #tpu.dimension_semantics<subcore_parallel>], iteration_bounds = array<i64: 2, 16>, scalar_prefetch = 0 : i64, scratch_operands = 2 : i64, tpu.core_type = #tpu.core_type<sc_vector_subcore>, window_params = [{transform_indices = #map}, {transform_indices = #map1}]} {
    %mul3A = arith.constant 16 : i32
    %mul3A_0 = arith.muli %arg0, %mul3A : i32
    %add3A = arith.addi %mul3A_0, %arg1 : i32
    "tpu.region"() ({
      %run_scoped3A = tpu.sem_alloc : memref<!tpu.dma_semaphore, #tpu.memory_space<semaphore_mem>>
      %dma_start3A = arith.constant 0 : i32
      %dma_start3A_17 = arith.constant 0 : i32
      %dma_start3A_18 = tpu.memref_slice %arg2[%add3A, %dma_start3A, %dma_start3A_17] : memref<32x625x16xi32, #tpu.memory_space<hbm>> -> memref<1x625x16xi32, #tpu.memory_space<hbm>>
      %dma_start3A_19 = tpu.memref_squeeze %dma_start3A_18 : memref<1x625x16xi32, #tpu.memory_space<hbm>> -> memref<625x16xi32, #tpu.memory_space<hbm>>
      %dma_start3A_20 = arith.constant 0 : i32
      %dma_start3A_21 = arith.constant 0 : i32
      %dma_start3A_22 = tpu.memref_slice %arg2[%add3A, %dma_start3A_20, %dma_start3A_21] : memref<32x625x16xi32, #tpu.memory_space<hbm>> -> memref<1x625x16xi32, #tpu.memory_space<hbm>>
      %dma_start3A_23 = tpu.memref_squeeze %dma_start3A_22 : memref<1x625x16xi32, #tpu.memory_space<hbm>> -> memref<625x16xi32, #tpu.memory_space<hbm>>
      tpu.enqueue_dma source(%dma_start3A_23 : memref<625x16xi32, #tpu.memory_space<hbm>>) target(%arg4 : memref<625x16xi32, #tpu.memory_space<vmem>>) target_semaphore(%run_scoped3A : memref<!tpu.dma_semaphore, #tpu.memory_space<semaphore_mem>>)
      %dma_wait3A = arith.constant 0 : i32
      %dma_wait3A_24 = arith.constant 0 : i32
      %dma_wait3A_25 = tpu.memref_slice %arg2[%add3A, %dma_wait3A, %dma_wait3A_24] : memref<32x625x16xi32, #tpu.memory_space<hbm>> -> memref<1x625x16xi32, #tpu.memory_space<hbm>>
      %dma_wait3A_26 = tpu.memref_squeeze %dma_wait3A_25 : memref<1x625x16xi32, #tpu.memory_space<hbm>> -> memref<625x16xi32, #tpu.memory_space<hbm>>
      %dma_wait3A_27 = arith.constant 0 : i32
      %dma_wait3A_28 = arith.constant 0 : i32
      %dma_wait3A_29 = tpu.memref_slice %arg2[%add3A, %dma_wait3A_27, %dma_wait3A_28] : memref<32x625x16xi32, #tpu.memory_space<hbm>> -> memref<1x625x16xi32, #tpu.memory_space<hbm>>
      %dma_wait3A_30 = tpu.memref_squeeze %dma_wait3A_29 : memref<1x625x16xi32, #tpu.memory_space<hbm>> -> memref<625x16xi32, #tpu.memory_space<hbm>>
      tpu.wait_dma2 semaphore(%run_scoped3A : memref<!tpu.dma_semaphore, #tpu.memory_space<semaphore_mem>>) src(%dma_wait3A_30 : memref<625x16xi32, #tpu.memory_space<hbm>>) dst(%arg4 : memref<625x16xi32, #tpu.memory_space<vmem>>)
      tpu.yield
    }) : () -> ()
    %broadcast_in_dim3A = arith.constant 0.000000e+00 : f32
    %broadcast_in_dim3A_1 = vector.broadcast %broadcast_in_dim3A : f32 to vector<16xf32>
    %scan3A = arith.constant 0 : i32
    %scan3A_2 = arith.constant 0 : i32
    %scan3A_3 = arith.constant 625 : i32
    %scan3A_4 = arith.addi %scan3A_2, %scan3A_3 : i32
    %scan3A_5 = arith.constant 1 : i32
    scf.for %scan3A_17 = %scan3A_2 to %scan3A_4 step %scan3A_5  : i32 {
      %mul3A_18 = arith.constant 16 : i32
      %mul3A_19 = arith.muli %scan3A_17, %mul3A_18 : i32
      %swap3A = arith.index_cast %mul3A_19 : i32 to index
      %swap3A_20 = tpu.vector_load %arg5[%swap3A] {strides = array<i32>} : memref<10000xf32, #tpu.memory_space<vmem>>, vector<16xf32>,
      tpu.vector_store %arg5[%swap3A], %broadcast_in_dim3A_1 {strides = array<i32>} : memref<10000xf32, #tpu.memory_space<vmem>>, vector<16xf32>,
    }
    %scan3A_6 = arith.constant 625 : i32
    %broadcast_in_dim3A_7 = arith.constant 1.000000e+00 : f32
    %broadcast_in_dim3A_8 = vector.broadcast %broadcast_in_dim3A_7 : f32 to vector<16xf32>
    %scan3A_9 = arith.constant 0 : i32
    %scan3A_10 = arith.constant 0 : i32
    %scan3A_11 = arith.constant 625 : i32
    %scan3A_12 = arith.addi %scan3A_10, %scan3A_11 : i32
    %scan3A_13 = arith.constant 1 : i32
    scf.for %scan3A_17 = %scan3A_10 to %scan3A_12 step %scan3A_13  : i32 {
      %get3A = arith.index_cast %scan3A_17 : i32 to index
      %get3A_18 = arith.constant 0 : index
      %get3A_19 = tpu.vector_load %arg4[%get3A, %get3A_18] {strides = array<i32>} : memref<625x16xi32, #tpu.memory_space<vmem>>, vector<16xi32>,
      tpu.vector_store_idx %arg5[%get3A_19], %broadcast_in_dim3A_8 {add = true} : memref<10000xf32, #tpu.memory_space<vmem>>[vector<16xi32>], vector<16xf32>,
    }
    %scan3A_14 = arith.constant 625 : i32
    %mul3A_15 = arith.constant 10000 : i32
    %mul3A_16 = arith.muli %add3A, %mul3A_15 : i32
    "tpu.region"() ({
      %run_scoped3A = tpu.sem_alloc : memref<!tpu.dma_semaphore, #tpu.memory_space<semaphore_mem>>
      %dma_start3A = tpu.memref_slice %arg3[%mul3A_16] : memref<320000xf32, #tpu.memory_space<hbm>> -> memref<10000xf32, #tpu.memory_space<hbm>>
      %dma_start3A_17 = tpu.memref_slice %arg3[%mul3A_16] : memref<320000xf32, #tpu.memory_space<hbm>> -> memref<10000xf32, #tpu.memory_space<hbm>>
      tpu.enqueue_dma source(%arg5 : memref<10000xf32, #tpu.memory_space<vmem>>) target(%dma_start3A_17 : memref<10000xf32, #tpu.memory_space<hbm>>) target_semaphore(%run_scoped3A : memref<!tpu.dma_semaphore, #tpu.memory_space<semaphore_mem>>)
      %dma_wait3A = tpu.memref_slice %arg3[%mul3A_16] : memref<320000xf32, #tpu.memory_space<hbm>> -> memref<10000xf32, #tpu.memory_space<hbm>>
      %dma_wait3A_18 = tpu.memref_slice %arg3[%mul3A_16] : memref<320000xf32, #tpu.memory_space<hbm>> -> memref<10000xf32, #tpu.memory_space<hbm>>
      tpu.wait_dma2 semaphore(%run_scoped3A : memref<!tpu.dma_semaphore, #tpu.memory_space<semaphore_mem>>) src(%arg5 : memref<10000xf32, #tpu.memory_space<vmem>>) dst(%dma_wait3A_18 : memref<10000xf32, #tpu.memory_space<hbm>>)
      tpu.yield
    }) : () -> ()
    return
  }
}

#map = affine_map<(d0, d1) -> (0, 0)>
#map1 = affine_map<(d0, d1) -> (0, 0, 0)>
module attributes {stable_mosaic.version = 14 : i64} {
  func.func @agg_kernel(%arg0: i32, %arg1: i32, %arg2: memref<10112x16xf32, #tpu.memory_space<hbm>>, %arg3: memref<32x80x125xi32, #tpu.memory_space<hbm>>, %arg4: memref<32x80x125xi32, #tpu.memory_space<hbm>>, %arg5: memref<2x10112x16xf32, #tpu.memory_space<hbm>>, %arg6: memref<80x125xi32, #tpu.memory_space<vmem>>, %arg7: memref<80x125xi32, #tpu.memory_space<vmem>>, %arg8: memref<125x16xf32, #tpu.memory_space<vmem>>, %arg9: memref<125x16xf32, #tpu.memory_space<vmem>>, %arg10: memref<632x16xf32, #tpu.memory_space<vmem>>, %arg11: memref<10112x16xf32, #tpu.memory_space<vmem_shared>>, %arg12: memref<10112x16xf32, #tpu.memory_space<vmem_shared>>, %arg13: memref<!tpu.dma_semaphore, #tpu.memory_space<semaphore_mem>>, %arg14: memref<!tpu.dma_semaphore, #tpu.memory_space<semaphore_mem>>) attributes {dimension_semantics = [#tpu.dimension_semantics<core_parallel>, #tpu.dimension_semantics<subcore_parallel>], iteration_bounds = array<i64: 2, 16>, scalar_prefetch = 0 : i64, scratch_operands = 9 : i64, tpu.core_type = #tpu.core_type<sc_vector_subcore>, window_params = [{transform_indices = #map}, {transform_indices = #map1}, {transform_indices = #map1}, {transform_indices = #map1}]} {
    %mul3A = arith.constant 16 : i32
    %mul3A_0 = arith.muli %arg0, %mul3A : i32
    %add3A = arith.addi %mul3A_0, %arg1 : i32
    "tpu.region"() ({
      %run_scoped3A = tpu.sem_alloc : memref<!tpu.dma_semaphore, #tpu.memory_space<semaphore_mem>>
      %dma_start3A_37 = arith.constant 0 : i32
      %dma_start3A_38 = arith.constant 0 : i32
      %dma_start3A_39 = tpu.memref_slice %arg3[%add3A, %dma_start3A_37, %dma_start3A_38] : memref<32x80x125xi32, #tpu.memory_space<hbm>> -> memref<1x80x125xi32, #tpu.memory_space<hbm>>
      %dma_start3A_40 = tpu.memref_squeeze %dma_start3A_39 : memref<1x80x125xi32, #tpu.memory_space<hbm>> -> memref<80x125xi32, #tpu.memory_space<hbm>>
      %dma_start3A_41 = arith.constant 0 : i32
      %dma_start3A_42 = arith.constant 0 : i32
      %dma_start3A_43 = tpu.memref_slice %arg3[%add3A, %dma_start3A_41, %dma_start3A_42] : memref<32x80x125xi32, #tpu.memory_space<hbm>> -> memref<1x80x125xi32, #tpu.memory_space<hbm>>
      %dma_start3A_44 = tpu.memref_squeeze %dma_start3A_43 : memref<1x80x125xi32, #tpu.memory_space<hbm>> -> memref<80x125xi32, #tpu.memory_space<hbm>>
      tpu.enqueue_dma source(%dma_start3A_44 : memref<80x125xi32, #tpu.memory_space<hbm>>) target(%arg6 : memref<80x125xi32, #tpu.memory_space<vmem>>) target_semaphore(%run_scoped3A : memref<!tpu.dma_semaphore, #tpu.memory_space<semaphore_mem>>)
      %dma_wait3A = arith.constant 0 : i32
      %dma_wait3A_45 = arith.constant 0 : i32
      %dma_wait3A_46 = tpu.memref_slice %arg3[%add3A, %dma_wait3A, %dma_wait3A_45] : memref<32x80x125xi32, #tpu.memory_space<hbm>> -> memref<1x80x125xi32, #tpu.memory_space<hbm>>
      %dma_wait3A_47 = tpu.memref_squeeze %dma_wait3A_46 : memref<1x80x125xi32, #tpu.memory_space<hbm>> -> memref<80x125xi32, #tpu.memory_space<hbm>>
      %dma_wait3A_48 = arith.constant 0 : i32
      %dma_wait3A_49 = arith.constant 0 : i32
      %dma_wait3A_50 = tpu.memref_slice %arg3[%add3A, %dma_wait3A_48, %dma_wait3A_49] : memref<32x80x125xi32, #tpu.memory_space<hbm>> -> memref<1x80x125xi32, #tpu.memory_space<hbm>>
      %dma_wait3A_51 = tpu.memref_squeeze %dma_wait3A_50 : memref<1x80x125xi32, #tpu.memory_space<hbm>> -> memref<80x125xi32, #tpu.memory_space<hbm>>
      tpu.wait_dma2 semaphore(%run_scoped3A : memref<!tpu.dma_semaphore, #tpu.memory_space<semaphore_mem>>) src(%dma_wait3A_51 : memref<80x125xi32, #tpu.memory_space<hbm>>) dst(%arg6 : memref<80x125xi32, #tpu.memory_space<vmem>>)
      tpu.yield
    }) : () -> ()
    "tpu.region"() ({
      %run_scoped3A = tpu.sem_alloc : memref<!tpu.dma_semaphore, #tpu.memory_space<semaphore_mem>>
      %dma_start3A_37 = arith.constant 0 : i32
      %dma_start3A_38 = arith.constant 0 : i32
      %dma_start3A_39 = tpu.memref_slice %arg4[%add3A, %dma_start3A_37, %dma_start3A_38] : memref<32x80x125xi32, #tpu.memory_space<hbm>> -> memref<1x80x125xi32, #tpu.memory_space<hbm>>
      %dma_start3A_40 = tpu.memref_squeeze %dma_start3A_39 : memref<1x80x125xi32, #tpu.memory_space<hbm>> -> memref<80x125xi32, #tpu.memory_space<hbm>>
      %dma_start3A_41 = arith.constant 0 : i32
      %dma_start3A_42 = arith.constant 0 : i32
      %dma_start3A_43 = tpu.memref_slice %arg4[%add3A, %dma_start3A_41, %dma_start3A_42] : memref<32x80x125xi32, #tpu.memory_space<hbm>> -> memref<1x80x125xi32, #tpu.memory_space<hbm>>
      %dma_start3A_44 = tpu.memref_squeeze %dma_start3A_43 : memref<1x80x125xi32, #tpu.memory_space<hbm>> -> memref<80x125xi32, #tpu.memory_space<hbm>>
      tpu.enqueue_dma source(%dma_start3A_44 : memref<80x125xi32, #tpu.memory_space<hbm>>) target(%arg7 : memref<80x125xi32, #tpu.memory_space<vmem>>) target_semaphore(%run_scoped3A : memref<!tpu.dma_semaphore, #tpu.memory_space<semaphore_mem>>)
      %dma_wait3A = arith.constant 0 : i32
      %dma_wait3A_45 = arith.constant 0 : i32
      %dma_wait3A_46 = tpu.memref_slice %arg4[%add3A, %dma_wait3A, %dma_wait3A_45] : memref<32x80x125xi32, #tpu.memory_space<hbm>> -> memref<1x80x125xi32, #tpu.memory_space<hbm>>
      %dma_wait3A_47 = tpu.memref_squeeze %dma_wait3A_46 : memref<1x80x125xi32, #tpu.memory_space<hbm>> -> memref<80x125xi32, #tpu.memory_space<hbm>>
      %dma_wait3A_48 = arith.constant 0 : i32
      %dma_wait3A_49 = arith.constant 0 : i32
      %dma_wait3A_50 = tpu.memref_slice %arg4[%add3A, %dma_wait3A_48, %dma_wait3A_49] : memref<32x80x125xi32, #tpu.memory_space<hbm>> -> memref<1x80x125xi32, #tpu.memory_space<hbm>>
      %dma_wait3A_51 = tpu.memref_squeeze %dma_wait3A_50 : memref<1x80x125xi32, #tpu.memory_space<hbm>> -> memref<80x125xi32, #tpu.memory_space<hbm>>
      tpu.wait_dma2 semaphore(%run_scoped3A : memref<!tpu.dma_semaphore, #tpu.memory_space<semaphore_mem>>) src(%dma_wait3A_51 : memref<80x125xi32, #tpu.memory_space<hbm>>) dst(%arg7 : memref<80x125xi32, #tpu.memory_space<vmem>>)
      tpu.yield
    }) : () -> ()
    %mul3A_1 = arith.constant 632 : i32
    %mul3A_2 = arith.muli %arg1, %mul3A_1 : i32
    %mul3A_3 = arith.constant 632 : i32
    %mul3A_4 = arith.muli %arg1, %mul3A_3 : i32
    "tpu.region"() ({
      %run_scoped3A = tpu.sem_alloc : memref<!tpu.dma_semaphore, #tpu.memory_space<semaphore_mem>>
      %dma_start3A_37 = arith.constant 0 : i32
      %dma_start3A_38 = tpu.memref_slice %arg12[%mul3A_4, %dma_start3A_37] : memref<10112x16xf32, #tpu.memory_space<vmem_shared>> -> memref<632x16xf32, #tpu.memory_space<vmem_shared>>
      %dma_start3A_39 = arith.constant 0 : i32
      %dma_start3A_40 = tpu.memref_slice %arg2[%mul3A_2, %dma_start3A_39] : memref<10112x16xf32, #tpu.memory_space<hbm>> -> memref<632x16xf32, #tpu.memory_space<hbm>>
      tpu.enqueue_dma source(%dma_start3A_40 : memref<632x16xf32, #tpu.memory_space<hbm>>) target(%dma_start3A_38 : memref<632x16xf32, #tpu.memory_space<vmem_shared>>) target_semaphore(%run_scoped3A : memref<!tpu.dma_semaphore, #tpu.memory_space<semaphore_mem>>)
      %dma_wait3A = arith.constant 0 : i32
      %dma_wait3A_41 = tpu.memref_slice %arg12[%mul3A_4, %dma_wait3A] : memref<10112x16xf32, #tpu.memory_space<vmem_shared>> -> memref<632x16xf32, #tpu.memory_space<vmem_shared>>
      %dma_wait3A_42 = arith.constant 0 : i32
      %dma_wait3A_43 = tpu.memref_slice %arg2[%mul3A_2, %dma_wait3A_42] : memref<10112x16xf32, #tpu.memory_space<hbm>> -> memref<632x16xf32, #tpu.memory_space<hbm>>
      tpu.wait_dma2 semaphore(%run_scoped3A : memref<!tpu.dma_semaphore, #tpu.memory_space<semaphore_mem>>) src(%dma_wait3A_43 : memref<632x16xf32, #tpu.memory_space<hbm>>) dst(%dma_wait3A_41 : memref<632x16xf32, #tpu.memory_space<vmem_shared>>)
      tpu.yield
    }) : () -> ()
    %broadcast_in_dim3A = arith.constant 0.000000e+00 : f32
    %broadcast_in_dim3A_5 = vector.broadcast %broadcast_in_dim3A : f32 to vector<16xf32>
    %scan3A = arith.constant 0 : i32
    %scan3A_6 = arith.constant 0 : i32
    %scan3A_7 = arith.constant 632 : i32
    %scan3A_8 = arith.addi %scan3A_6, %scan3A_7 : i32
    %scan3A_9 = arith.constant 1 : i32
    scf.for %scan3A_37 = %scan3A_6 to %scan3A_8 step %scan3A_9  : i32 {
      %swap3A = arith.index_cast %scan3A_37 : i32 to index
      %swap3A_38 = arith.constant 0 : index
      %swap3A_39 = tpu.vector_load %arg10[%swap3A, %swap3A_38] {strides = array<i32>} : memref<632x16xf32, #tpu.memory_space<vmem>>, vector<16xf32>,
      tpu.vector_store %arg10[%swap3A, %swap3A_38], %broadcast_in_dim3A_5 {strides = array<i32>} : memref<632x16xf32, #tpu.memory_space<vmem>>, vector<16xf32>,
    }
    %scan3A_10 = arith.constant 632 : i32
    %mul3A_11 = arith.constant 632 : i32
    %mul3A_12 = arith.muli %arg1, %mul3A_11 : i32
    "tpu.region"() ({
      %run_scoped3A = tpu.sem_alloc : memref<!tpu.dma_semaphore, #tpu.memory_space<semaphore_mem>>
      %dma_start3A_37 = arith.constant 0 : i32
      %dma_start3A_38 = tpu.memref_slice %arg11[%mul3A_12, %dma_start3A_37] : memref<10112x16xf32, #tpu.memory_space<vmem_shared>> -> memref<632x16xf32, #tpu.memory_space<vmem_shared>>
      %dma_start3A_39 = arith.constant 0 : i32
      %dma_start3A_40 = tpu.memref_slice %arg11[%mul3A_12, %dma_start3A_39] : memref<10112x16xf32, #tpu.memory_space<vmem_shared>> -> memref<632x16xf32, #tpu.memory_space<vmem_shared>>
      tpu.enqueue_dma source(%arg10 : memref<632x16xf32, #tpu.memory_space<vmem>>) target(%dma_start3A_40 : memref<632x16xf32, #tpu.memory_space<vmem_shared>>) target_semaphore(%run_scoped3A : memref<!tpu.dma_semaphore, #tpu.memory_space<semaphore_mem>>)
      %dma_wait3A = arith.constant 0 : i32
      %dma_wait3A_41 = tpu.memref_slice %arg11[%mul3A_12, %dma_wait3A] : memref<10112x16xf32, #tpu.memory_space<vmem_shared>> -> memref<632x16xf32, #tpu.memory_space<vmem_shared>>
      %dma_wait3A_42 = arith.constant 0 : i32
      %dma_wait3A_43 = tpu.memref_slice %arg11[%mul3A_12, %dma_wait3A_42] : memref<10112x16xf32, #tpu.memory_space<vmem_shared>> -> memref<632x16xf32, #tpu.memory_space<vmem_shared>>
      tpu.wait_dma2 semaphore(%run_scoped3A : memref<!tpu.dma_semaphore, #tpu.memory_space<semaphore_mem>>) src(%arg10 : memref<632x16xf32, #tpu.memory_space<vmem>>) dst(%dma_wait3A_43 : memref<632x16xf32, #tpu.memory_space<vmem_shared>>)
      tpu.yield
    }) : () -> ()
    %barrier3A = arith.constant 0 : index
    tpu.barrier barrier_id(%barrier3A)
    %dma_start3A = arith.constant 0 : i32
    %dma_start3A_13 = arith.constant 0 : i32
    %dma_start3A_14 = tpu.memref_slice %arg6[%dma_start3A, %dma_start3A_13] : memref<80x125xi32, #tpu.memory_space<vmem>> -> memref<1x125xi32, #tpu.memory_space<vmem>>
    %dma_start3A_15 = tpu.memref_squeeze %dma_start3A_14 : memref<1x125xi32, #tpu.memory_space<vmem>> -> memref<125xi32, #tpu.memory_space<vmem>>
    %dma_start3A_16 = arith.constant 0 : i32
    %dma_start3A_17 = arith.constant 0 : i32
    %dma_start3A_18 = tpu.memref_slice %arg12[%dma_start3A_16, %dma_start3A_17] : memref<10112x16xf32, #tpu.memory_space<vmem_shared>> -> memref<10112x16xf32, #tpu.memory_space<vmem_shared>>
    tpu.enqueue_indirect_dma source(%dma_start3A_18 : memref<10112x16xf32, #tpu.memory_space<vmem_shared>>) target(%arg8 : memref<125x16xf32, #tpu.memory_space<vmem>>) offsets(%dma_start3A_15 : memref<125xi32, #tpu.memory_space<vmem>>) semaphore(%arg13 : memref<!tpu.dma_semaphore, #tpu.memory_space<semaphore_mem>>)
    %dma_start3A_19 = arith.constant 1 : i32
    %dma_start3A_20 = arith.constant 0 : i32
    %dma_start3A_21 = tpu.memref_slice %arg6[%dma_start3A_19, %dma_start3A_20] : memref<80x125xi32, #tpu.memory_space<vmem>> -> memref<1x125xi32, #tpu.memory_space<vmem>>
    %dma_start3A_22 = tpu.memref_squeeze %dma_start3A_21 : memref<1x125xi32, #tpu.memory_space<vmem>> -> memref<125xi32, #tpu.memory_space<vmem>>
    %dma_start3A_23 = arith.constant 0 : i32
    %dma_start3A_24 = arith.constant 0 : i32
    %dma_start3A_25 = tpu.memref_slice %arg12[%dma_start3A_23, %dma_start3A_24] : memref<10112x16xf32, #tpu.memory_space<vmem_shared>> -> memref<10112x16xf32, #tpu.memory_space<vmem_shared>>
    tpu.enqueue_indirect_dma source(%dma_start3A_25 : memref<10112x16xf32, #tpu.memory_space<vmem_shared>>) target(%arg9 : memref<125x16xf32, #tpu.memory_space<vmem>>) offsets(%dma_start3A_22 : memref<125xi32, #tpu.memory_space<vmem>>) semaphore(%arg14 : memref<!tpu.dma_semaphore, #tpu.memory_space<semaphore_mem>>)
    %scan3A_26 = arith.constant 0 : i32
    %scan3A_27 = arith.constant 0 : i32
    %scan3A_28 = arith.constant 40 : i32
    %scan3A_29 = arith.addi %scan3A_27, %scan3A_28 : i32
    %scan3A_30 = arith.constant 1 : i32
    scf.for %scan3A_37 = %scan3A_27 to %scan3A_29 step %scan3A_30  : i32 {
      %mul3A_38 = arith.constant 2 : i32
      %mul3A_39 = arith.muli %mul3A_38, %scan3A_37 : i32
      %dma_wait3A = arith.constant 0 : i32
      %dma_wait3A_40 = tpu.memref_slice %arg6[%mul3A_39, %dma_wait3A] : memref<80x125xi32, #tpu.memory_space<vmem>> -> memref<1x125xi32, #tpu.memory_space<vmem>>
      %dma_wait3A_41 = tpu.memref_squeeze %dma_wait3A_40 : memref<1x125xi32, #tpu.memory_space<vmem>> -> memref<125xi32, #tpu.memory_space<vmem>>
      %dma_wait3A_42 = arith.constant 0 : i32
      %dma_wait3A_43 = arith.constant 0 : i32
      %dma_wait3A_44 = tpu.memref_slice %arg12[%dma_wait3A_42, %dma_wait3A_43] : memref<10112x16xf32, #tpu.memory_space<vmem_shared>> -> memref<10112x16xf32, #tpu.memory_space<vmem_shared>>
      tpu.wait_indirect_dma semaphore(%arg13 : memref<!tpu.dma_semaphore, #tpu.memory_space<semaphore_mem>>) src(%dma_wait3A_44 : memref<10112x16xf32, #tpu.memory_space<vmem_shared>>) dst(%arg8 : memref<125x16xf32, #tpu.memory_space<vmem>>)
      "tpu.region"() ({
        %run_scoped3A = tpu.sem_alloc : memref<!tpu.dma_semaphore, #tpu.memory_space<semaphore_mem>>
        %dma_start3A_62 = arith.constant 0 : i32
        %dma_start3A_63 = tpu.memref_slice %arg7[%mul3A_39, %dma_start3A_62] : memref<80x125xi32, #tpu.memory_space<vmem>> -> memref<1x125xi32, #tpu.memory_space<vmem>>
        %dma_start3A_64 = tpu.memref_squeeze %dma_start3A_63 : memref<1x125xi32, #tpu.memory_space<vmem>> -> memref<125xi32, #tpu.memory_space<vmem>>
        %dma_start3A_65 = arith.constant 0 : i32
        %dma_start3A_66 = arith.constant 0 : i32
        %dma_start3A_67 = tpu.memref_slice %arg11[%dma_start3A_65, %dma_start3A_66] : memref<10112x16xf32, #tpu.memory_space<vmem_shared>> -> memref<10112x16xf32, #tpu.memory_space<vmem_shared>>
        tpu.enqueue_indirect_dma source(%arg8 : memref<125x16xf32, #tpu.memory_space<vmem>>) target(%dma_start3A_67 : memref<10112x16xf32, #tpu.memory_space<vmem_shared>>) offsets(%dma_start3A_64 : memref<125xi32, #tpu.memory_space<vmem>>) semaphore(%run_scoped3A : memref<!tpu.dma_semaphore, #tpu.memory_space<semaphore_mem>>) {add = true}
        %dma_wait3A_68 = arith.constant 0 : i32
        %dma_wait3A_69 = tpu.memref_slice %arg7[%mul3A_39, %dma_wait3A_68] : memref<80x125xi32, #tpu.memory_space<vmem>> -> memref<1x125xi32, #tpu.memory_space<vmem>>
        %dma_wait3A_70 = tpu.memref_squeeze %dma_wait3A_69 : memref<1x125xi32, #tpu.memory_space<vmem>> -> memref<125xi32, #tpu.memory_space<vmem>>
        %dma_wait3A_71 = arith.constant 0 : i32
        %dma_wait3A_72 = arith.constant 0 : i32
        %dma_wait3A_73 = tpu.memref_slice %arg11[%dma_wait3A_71, %dma_wait3A_72] : memref<10112x16xf32, #tpu.memory_space<vmem_shared>> -> memref<10112x16xf32, #tpu.memory_space<vmem_shared>>
        tpu.wait_indirect_dma semaphore(%run_scoped3A : memref<!tpu.dma_semaphore, #tpu.memory_space<semaphore_mem>>) src(%arg8 : memref<125x16xf32, #tpu.memory_space<vmem>>) dst(%dma_wait3A_73 : memref<10112x16xf32, #tpu.memory_space<vmem_shared>>)
        tpu.yield
      }) : () -> ()
      %lt3A = arith.constant 39 : i32
      %lt3A_45 = arith.cmpi slt, %scan3A_37, %lt3A : i32
      %convert_element_type3A = arith.extui %lt3A_45 : i1 to i32
      %cond3A = arith.constant 0 : i32
      %cond3A_46 = arith.cmpi ne, %convert_element_type3A, %cond3A : i32
      scf.if %cond3A_46 {
        %add3A_62 = arith.constant 2 : i32
        %add3A_63 = arith.addi %mul3A_39, %add3A_62 : i32
        %dma_start3A_64 = arith.constant 0 : i32
        %dma_start3A_65 = tpu.memref_slice %arg6[%add3A_63, %dma_start3A_64] : memref<80x125xi32, #tpu.memory_space<vmem>> -> memref<1x125xi32, #tpu.memory_space<vmem>>
        %dma_start3A_66 = tpu.memref_squeeze %dma_start3A_65 : memref<1x125xi32, #tpu.memory_space<vmem>> -> memref<125xi32, #tpu.memory_space<vmem>>
        %dma_start3A_67 = arith.constant 0 : i32
        %dma_start3A_68 = arith.constant 0 : i32
        %dma_start3A_69 = tpu.memref_slice %arg12[%dma_start3A_67, %dma_start3A_68] : memref<10112x16xf32, #tpu.memory_space<vmem_shared>> -> memref<10112x16xf32, #tpu.memory_space<vmem_shared>>
        tpu.enqueue_indirect_dma source(%dma_start3A_69 : memref<10112x16xf32, #tpu.memory_space<vmem_shared>>) target(%arg8 : memref<125x16xf32, #tpu.memory_space<vmem>>) offsets(%dma_start3A_66 : memref<125xi32, #tpu.memory_space<vmem>>) semaphore(%arg13 : memref<!tpu.dma_semaphore, #tpu.memory_space<semaphore_mem>>)
      } else {
      }
      %add3A_47 = arith.constant 1 : i32
      %add3A_48 = arith.addi %mul3A_39, %add3A_47 : i32
      %dma_wait3A_49 = arith.constant 0 : i32
      %dma_wait3A_50 = tpu.memref_slice %arg6[%add3A_48, %dma_wait3A_49] : memref<80x125xi32, #tpu.memory_space<vmem>> -> memref<1x125xi32, #tpu.memory_space<vmem>>
      %dma_wait3A_51 = tpu.memref_squeeze %dma_wait3A_50 : memref<1x125xi32, #tpu.memory_space<vmem>> -> memref<125xi32, #tpu.memory_space<vmem>>
      %dma_wait3A_52 = arith.constant 0 : i32
      %dma_wait3A_53 = arith.constant 0 : i32
      %dma_wait3A_54 = tpu.memref_slice %arg12[%dma_wait3A_52, %dma_wait3A_53] : memref<10112x16xf32, #tpu.memory_space<vmem_shared>> -> memref<10112x16xf32, #tpu.memory_space<vmem_shared>>
      tpu.wait_indirect_dma semaphore(%arg14 : memref<!tpu.dma_semaphore, #tpu.memory_space<semaphore_mem>>) src(%dma_wait3A_54 : memref<10112x16xf32, #tpu.memory_space<vmem_shared>>) dst(%arg9 : memref<125x16xf32, #tpu.memory_space<vmem>>)
      %add3A_55 = arith.constant 1 : i32
      %add3A_56 = arith.addi %mul3A_39, %add3A_55 : i32
      "tpu.region"() ({
        %run_scoped3A = tpu.sem_alloc : memref<!tpu.dma_semaphore, #tpu.memory_space<semaphore_mem>>
        %dma_start3A_62 = arith.constant 0 : i32
        %dma_start3A_63 = tpu.memref_slice %arg7[%add3A_56, %dma_start3A_62] : memref<80x125xi32, #tpu.memory_space<vmem>> -> memref<1x125xi32, #tpu.memory_space<vmem>>
        %dma_start3A_64 = tpu.memref_squeeze %dma_start3A_63 : memref<1x125xi32, #tpu.memory_space<vmem>> -> memref<125xi32, #tpu.memory_space<vmem>>
        %dma_start3A_65 = arith.constant 0 : i32
        %dma_start3A_66 = arith.constant 0 : i32
        %dma_start3A_67 = tpu.memref_slice %arg11[%dma_start3A_65, %dma_start3A_66] : memref<10112x16xf32, #tpu.memory_space<vmem_shared>> -> memref<10112x16xf32, #tpu.memory_space<vmem_shared>>
        tpu.enqueue_indirect_dma source(%arg9 : memref<125x16xf32, #tpu.memory_space<vmem>>) target(%dma_start3A_67 : memref<10112x16xf32, #tpu.memory_space<vmem_shared>>) offsets(%dma_start3A_64 : memref<125xi32, #tpu.memory_space<vmem>>) semaphore(%run_scoped3A : memref<!tpu.dma_semaphore, #tpu.memory_space<semaphore_mem>>) {add = true}
        %dma_wait3A_68 = arith.constant 0 : i32
        %dma_wait3A_69 = tpu.memref_slice %arg7[%add3A_56, %dma_wait3A_68] : memref<80x125xi32, #tpu.memory_space<vmem>> -> memref<1x125xi32, #tpu.memory_space<vmem>>
        %dma_wait3A_70 = tpu.memref_squeeze %dma_wait3A_69 : memref<1x125xi32, #tpu.memory_space<vmem>> -> memref<125xi32, #tpu.memory_space<vmem>>
        %dma_wait3A_71 = arith.constant 0 : i32
        %dma_wait3A_72 = arith.constant 0 : i32
        %dma_wait3A_73 = tpu.memref_slice %arg11[%dma_wait3A_71, %dma_wait3A_72] : memref<10112x16xf32, #tpu.memory_space<vmem_shared>> -> memref<10112x16xf32, #tpu.memory_space<vmem_shared>>
        tpu.wait_indirect_dma semaphore(%run_scoped3A : memref<!tpu.dma_semaphore, #tpu.memory_space<semaphore_mem>>) src(%arg9 : memref<125x16xf32, #tpu.memory_space<vmem>>) dst(%dma_wait3A_73 : memref<10112x16xf32, #tpu.memory_space<vmem_shared>>)
        tpu.yield
      }) : () -> ()
      %lt3A_57 = arith.constant 39 : i32
      %lt3A_58 = arith.cmpi slt, %scan3A_37, %lt3A_57 : i32
      %convert_element_type3A_59 = arith.extui %lt3A_58 : i1 to i32
      %cond3A_60 = arith.constant 0 : i32
      %cond3A_61 = arith.cmpi ne, %convert_element_type3A_59, %cond3A_60 : i32
      scf.if %cond3A_61 {
        %add3A_62 = arith.constant 3 : i32
        %add3A_63 = arith.addi %mul3A_39, %add3A_62 : i32
        %dma_start3A_64 = arith.constant 0 : i32
        %dma_start3A_65 = tpu.memref_slice %arg6[%add3A_63, %dma_start3A_64] : memref<80x125xi32, #tpu.memory_space<vmem>> -> memref<1x125xi32, #tpu.memory_space<vmem>>
        %dma_start3A_66 = tpu.memref_squeeze %dma_start3A_65 : memref<1x125xi32, #tpu.memory_space<vmem>> -> memref<125xi32, #tpu.memory_space<vmem>>
        %dma_start3A_67 = arith.constant 0 : i32
        %dma_start3A_68 = arith.constant 0 : i32
        %dma_start3A_69 = tpu.memref_slice %arg12[%dma_start3A_67, %dma_start3A_68] : memref<10112x16xf32, #tpu.memory_space<vmem_shared>> -> memref<10112x16xf32, #tpu.memory_space<vmem_shared>>
        tpu.enqueue_indirect_dma source(%dma_start3A_69 : memref<10112x16xf32, #tpu.memory_space<vmem_shared>>) target(%arg9 : memref<125x16xf32, #tpu.memory_space<vmem>>) offsets(%dma_start3A_66 : memref<125xi32, #tpu.memory_space<vmem>>) semaphore(%arg14 : memref<!tpu.dma_semaphore, #tpu.memory_space<semaphore_mem>>)
      } else {
      }
    }
    %scan3A_31 = arith.constant 40 : i32
    %barrier3A_32 = arith.constant 0 : index
    tpu.barrier barrier_id(%barrier3A_32)
    %mul3A_33 = arith.constant 632 : i32
    %mul3A_34 = arith.muli %arg1, %mul3A_33 : i32
    %mul3A_35 = arith.constant 632 : i32
    %mul3A_36 = arith.muli %arg1, %mul3A_35 : i32
    "tpu.region"() ({
      %run_scoped3A = tpu.sem_alloc : memref<!tpu.dma_semaphore, #tpu.memory_space<semaphore_mem>>
      %dma_start3A_37 = arith.constant 0 : i32
      %dma_start3A_38 = tpu.memref_slice %arg5[%arg0, %mul3A_36, %dma_start3A_37] : memref<2x10112x16xf32, #tpu.memory_space<hbm>> -> memref<1x632x16xf32, #tpu.memory_space<hbm>>
      %dma_start3A_39 = tpu.memref_squeeze %dma_start3A_38 : memref<1x632x16xf32, #tpu.memory_space<hbm>> -> memref<632x16xf32, #tpu.memory_space<hbm>>
      %dma_start3A_40 = arith.constant 0 : i32
      %dma_start3A_41 = tpu.memref_slice %arg11[%mul3A_34, %dma_start3A_40] : memref<10112x16xf32, #tpu.memory_space<vmem_shared>> -> memref<632x16xf32, #tpu.memory_space<vmem_shared>>
      tpu.enqueue_dma source(%dma_start3A_41 : memref<632x16xf32, #tpu.memory_space<vmem_shared>>) target(%dma_start3A_39 : memref<632x16xf32, #tpu.memory_space<hbm>>) target_semaphore(%run_scoped3A : memref<!tpu.dma_semaphore, #tpu.memory_space<semaphore_mem>>)
      %dma_wait3A = arith.constant 0 : i32
      %dma_wait3A_42 = tpu.memref_slice %arg5[%arg0, %mul3A_36, %dma_wait3A] : memref<2x10112x16xf32, #tpu.memory_space<hbm>> -> memref<1x632x16xf32, #tpu.memory_space<hbm>>
      %dma_wait3A_43 = tpu.memref_squeeze %dma_wait3A_42 : memref<1x632x16xf32, #tpu.memory_space<hbm>> -> memref<632x16xf32, #tpu.memory_space<hbm>>
      %dma_wait3A_44 = arith.constant 0 : i32
      %dma_wait3A_45 = tpu.memref_slice %arg11[%mul3A_34, %dma_wait3A_44] : memref<10112x16xf32, #tpu.memory_space<vmem_shared>> -> memref<632x16xf32, #tpu.memory_space<vmem_shared>>
      tpu.wait_dma2 semaphore(%run_scoped3A : memref<!tpu.dma_semaphore, #tpu.memory_space<semaphore_mem>>) src(%dma_wait3A_45 : memref<632x16xf32, #tpu.memory_space<vmem_shared>>) dst(%dma_wait3A_43 : memref<632x16xf32, #tpu.memory_space<hbm>>)
      tpu.yield
    }) : () -> ()
    return
  }
}

module attributes {stable_mosaic.version = 14 : i64} {
  func.func @body(%arg0: memref<32x10000xf32, #tpu.memory_space<vmem>>, %arg1: memref<10000x128xf32, #tpu.memory_space<vmem>>, %arg2: memref<128x16xf32, #tpu.memory_space<vmem>>, %arg3: memref<10000x1xf32, #tpu.memory_space<vmem>>, %arg4: memref<10112x16xf32, #tpu.memory_space<vmem>>) attributes {dimension_semantics = [], scalar_prefetch = 0 : i64, scratch_operands = 0 : i64, tpu.core_type = #tpu.core_type<tc>} {
    %broadcast_in_dim3A = arith.constant 1.000000e+00 : f32
    %broadcast_in_dim3A_0 = vector.broadcast %broadcast_in_dim3A : f32 to vector<32x1xf32>
    %get3A = arith.constant 0 : index
    %get3A_1 = arith.constant 0 : index
    %get3A_2 = vector.load %arg0[%get3A, %get3A_1] : memref<32x10000xf32, #tpu.memory_space<vmem>>, vector<32x10000xf32>
    %dot_general3A = arith.constant dense<0.000000e+00> : vector<10000x1xf32>
    %dot_general3A_3 = tpu.matmul %get3A_2, %broadcast_in_dim3A_0, %dot_general3A {dimension_numbers = #tpu.dot_dimension_numbers<[0], [0], [1], [1], [0, 1, 1, 1], [], []>, transpose_lhs_hint = false} : vector<32x10000xf32>, vector<32x1xf32>, vector<10000x1xf32> -> vector<10000x1xf32>
    %add3A = arith.constant 1.000000e+00 : f32
    %add3A_4 = vector.broadcast %add3A : f32 to vector<10000x1xf32>
    %add3A_5 = arith.addf %dot_general3A_3, %add3A_4 : vector<10000x1xf32>
    %rsqrt3A = math.rsqrt %add3A_5 : vector<10000x1xf32>
    %get3A_6 = arith.constant 0 : index
    %get3A_7 = arith.constant 0 : index
    %get3A_8 = vector.load %arg1[%get3A_6, %get3A_7] : memref<10000x128xf32, #tpu.memory_space<vmem>>, vector<10000x128xf32>
    %get3A_9 = arith.constant 0 : index
    %get3A_10 = arith.constant 0 : index
    %get3A_11 = vector.load %arg2[%get3A_9, %get3A_10] : memref<128x16xf32, #tpu.memory_space<vmem>>, vector<128x16xf32>
    %dot_general3A_12 = arith.constant dense<0.000000e+00> : vector<10000x16xf32>
    %dot_general3A_13 = tpu.matmul %get3A_8, %get3A_11, %dot_general3A_12 {dimension_numbers = #tpu.dot_dimension_numbers<[1], [0], [0], [1], [0, 0, 1, 1], [], []>, transpose_lhs_hint = false} : vector<10000x128xf32>, vector<128x16xf32>, vector<10000x16xf32> -> vector<10000x16xf32>
    %swap3A = arith.constant 0 : index
    %swap3A_14 = arith.constant 0 : index
    %swap3A_15 = vector.load %arg3[%swap3A, %swap3A_14] : memref<10000x1xf32, #tpu.memory_space<vmem>>, vector<10000x1xf32>
    tpu.vector_store %arg3[%swap3A, %swap3A_14], %rsqrt3A {strides = array<i32>} : memref<10000x1xf32, #tpu.memory_space<vmem>>, vector<10000x1xf32>,
    %mul3A = vector.broadcast %rsqrt3A : vector<10000x1xf32> to vector<10000x16xf32>
    %mul3A_16 = arith.mulf %dot_general3A_13, %mul3A : vector<10000x16xf32>
    %swap3A_17 = arith.constant 0 : index
    %swap3A_18 = arith.constant 0 : index
    %swap3A_19 = vector.load %arg4[%swap3A_17, %swap3A_18] : memref<10112x16xf32, #tpu.memory_space<vmem>>, vector<10000x16xf32>
    tpu.vector_store %arg4[%swap3A_17, %swap3A_18], %mul3A_16 {strides = array<i32>} : memref<10112x16xf32, #tpu.memory_space<vmem>>, vector<10000x16xf32>,
    return
  }
}

module attributes {stable_mosaic.version = 14 : i64} {
  func.func @body(%arg0: memref<2x10112x16xf32, #tpu.memory_space<vmem>>, %arg1: memref<10112x16xf32, #tpu.memory_space<vmem>>, %arg2: memref<10000x1xf32, #tpu.memory_space<vmem>>, %arg3: memref<1x16xf32, #tpu.memory_space<vmem>>, %arg4: memref<10112x16xf32, #tpu.memory_space<vmem>>) attributes {dimension_semantics = [], scalar_prefetch = 0 : i64, scratch_operands = 0 : i64, tpu.core_type = #tpu.core_type<tc>} {
    %get3A = arith.constant 0 : index
    %get3A_0 = arith.constant 0 : index
    %get3A_1 = vector.load %arg2[%get3A, %get3A_0] : memref<10000x1xf32, #tpu.memory_space<vmem>>, vector<10000x1xf32>
    %get3A_2 = arith.constant 0 : index
    %get3A_3 = arith.constant 0 : index
    %get3A_4 = arith.constant 0 : index
    %get3A_5 = vector.load %arg0[%get3A_2, %get3A_3, %get3A_4] : memref<2x10112x16xf32, #tpu.memory_space<vmem>>, vector<1x10000x16xf32>
    %get3A_6 = vector.shape_cast %get3A_5 : vector<1x10000x16xf32> to vector<10000x16xf32>
    %get3A_7 = arith.constant 1 : index
    %get3A_8 = arith.constant 0 : index
    %get3A_9 = arith.constant 0 : index
    %get3A_10 = vector.load %arg0[%get3A_7, %get3A_8, %get3A_9] : memref<2x10112x16xf32, #tpu.memory_space<vmem>>, vector<1x10000x16xf32>
    %get3A_11 = vector.shape_cast %get3A_10 : vector<1x10000x16xf32> to vector<10000x16xf32>
    %add3A = arith.addf %get3A_6, %get3A_11 : vector<10000x16xf32>
    %get3A_12 = arith.constant 0 : index
    %get3A_13 = arith.constant 0 : index
    %get3A_14 = vector.load %arg1[%get3A_12, %get3A_13] : memref<10112x16xf32, #tpu.memory_space<vmem>>, vector<10000x16xf32>
    %add3A_15 = arith.addf %add3A, %get3A_14 : vector<10000x16xf32>
    %mul3A = vector.broadcast %get3A_1 : vector<10000x1xf32> to vector<10000x16xf32>
    %mul3A_16 = arith.mulf %mul3A, %add3A_15 : vector<10000x16xf32>
    %get3A_17 = arith.constant 0 : index
    %get3A_18 = arith.constant 0 : index
    %get3A_19 = vector.load %arg3[%get3A_17, %get3A_18] : memref<1x16xf32, #tpu.memory_space<vmem>>, vector<1x16xf32>
    %add3A_20 = vector.broadcast %get3A_19 : vector<1x16xf32> to vector<10000x16xf32>
    %add3A_21 = arith.addf %mul3A_16, %add3A_20 : vector<10000x16xf32>
    %max3A = arith.constant 0.000000e+00 : f32
    %max3A_22 = vector.broadcast %max3A : f32 to vector<10000x16xf32>
    %max3A_23 = arith.maximumf %add3A_21, %max3A_22 : vector<10000x16xf32>
    %mul3A_24 = vector.broadcast %get3A_1 : vector<10000x1xf32> to vector<10000x16xf32>
    %mul3A_25 = arith.mulf %max3A_23, %mul3A_24 : vector<10000x16xf32>
    %swap3A = arith.constant 0 : index
    %swap3A_26 = arith.constant 0 : index
    %swap3A_27 = vector.load %arg4[%swap3A, %swap3A_26] : memref<10112x16xf32, #tpu.memory_space<vmem>>, vector<10000x16xf32>
    tpu.vector_store %arg4[%swap3A, %swap3A_26], %mul3A_25 {strides = array<i32>} : memref<10112x16xf32, #tpu.memory_space<vmem>>, vector<10000x16xf32>,
    return
  }
}

module attributes {stable_mosaic.version = 14 : i64} {
  func.func @body(%arg0: memref<2x10112x16xf32, #tpu.memory_space<vmem>>, %arg1: memref<10112x16xf32, #tpu.memory_space<vmem>>, %arg2: memref<10000x1xf32, #tpu.memory_space<vmem>>, %arg3: memref<16x64xf32, #tpu.memory_space<vmem>>, %arg4: memref<1x64xf32, #tpu.memory_space<vmem>>, %arg5: memref<10000x64xf32, #tpu.memory_space<vmem>>) attributes {dimension_semantics = [], scalar_prefetch = 0 : i64, scratch_operands = 0 : i64, tpu.core_type = #tpu.core_type<tc>} {
    %get3A = arith.constant 0 : index
    %get3A_0 = arith.constant 0 : index
    %get3A_1 = vector.load %arg2[%get3A, %get3A_0] : memref<10000x1xf32, #tpu.memory_space<vmem>>, vector<10000x1xf32>
    %get3A_2 = arith.constant 0 : index
    %get3A_3 = arith.constant 0 : index
    %get3A_4 = arith.constant 0 : index
    %get3A_5 = vector.load %arg0[%get3A_2, %get3A_3, %get3A_4] : memref<2x10112x16xf32, #tpu.memory_space<vmem>>, vector<1x10000x16xf32>
    %get3A_6 = vector.shape_cast %get3A_5 : vector<1x10000x16xf32> to vector<10000x16xf32>
    %get3A_7 = arith.constant 1 : index
    %get3A_8 = arith.constant 0 : index
    %get3A_9 = arith.constant 0 : index
    %get3A_10 = vector.load %arg0[%get3A_7, %get3A_8, %get3A_9] : memref<2x10112x16xf32, #tpu.memory_space<vmem>>, vector<1x10000x16xf32>
    %get3A_11 = vector.shape_cast %get3A_10 : vector<1x10000x16xf32> to vector<10000x16xf32>
    %add3A = arith.addf %get3A_6, %get3A_11 : vector<10000x16xf32>
    %get3A_12 = arith.constant 0 : index
    %get3A_13 = arith.constant 0 : index
    %get3A_14 = vector.load %arg1[%get3A_12, %get3A_13] : memref<10112x16xf32, #tpu.memory_space<vmem>>, vector<10000x16xf32>
    %add3A_15 = arith.addf %add3A, %get3A_14 : vector<10000x16xf32>
    %mul3A = vector.broadcast %get3A_1 : vector<10000x1xf32> to vector<10000x16xf32>
    %mul3A_16 = arith.mulf %mul3A, %add3A_15 : vector<10000x16xf32>
    %get3A_17 = arith.constant 0 : index
    %get3A_18 = arith.constant 0 : index
    %get3A_19 = vector.load %arg3[%get3A_17, %get3A_18] : memref<16x64xf32, #tpu.memory_space<vmem>>, vector<16x64xf32>
    %dot_general3A = arith.constant dense<0.000000e+00> : vector<10000x64xf32>
    %dot_general3A_20 = tpu.matmul %mul3A_16, %get3A_19, %dot_general3A {dimension_numbers = #tpu.dot_dimension_numbers<[1], [0], [0], [1], [0, 0, 1, 1], [], []>, transpose_lhs_hint = false} : vector<10000x16xf32>, vector<16x64xf32>, vector<10000x64xf32> -> vector<10000x64xf32>
    %get3A_21 = arith.constant 0 : index
    %get3A_22 = arith.constant 0 : index
    %get3A_23 = vector.load %arg4[%get3A_21, %get3A_22] : memref<1x64xf32, #tpu.memory_space<vmem>>, vector<1x64xf32>
    %add3A_24 = vector.broadcast %get3A_23 : vector<1x64xf32> to vector<10000x64xf32>
    %add3A_25 = arith.addf %dot_general3A_20, %add3A_24 : vector<10000x64xf32>
    %reduce_max3A = arith.constant dense<0xFF800000> : vector<10000xf32>
    %reduce_max3A_26 = vector.multi_reduction <maximumf>, %add3A_25, %reduce_max3A [1] : vector<10000x64xf32> to vector<10000xf32>
    %broadcast_in_dim3A = vector.shape_cast %reduce_max3A_26 : vector<10000xf32> to vector<10000x1xf32>
    %sub3A = vector.broadcast %broadcast_in_dim3A : vector<10000x1xf32> to vector<10000x64xf32>
    %sub3A_27 = arith.subf %add3A_25, %sub3A : vector<10000x64xf32>
    %exp3A = math.exp %sub3A_27 : vector<10000x64xf32>
    %reduce_sum3A = arith.constant dense<0.000000e+00> : vector<10000xf32>
    %reduce_sum3A_28 = vector.multi_reduction <add>, %exp3A, %reduce_sum3A [1] : vector<10000x64xf32> to vector<10000xf32>
    %broadcast_in_dim3A_29 = vector.shape_cast %reduce_sum3A_28 : vector<10000xf32> to vector<10000x1xf32>
    %log3A = math.log %broadcast_in_dim3A_29 : vector<10000x1xf32>
    %sub3A_30 = vector.broadcast %log3A : vector<10000x1xf32> to vector<10000x64xf32>
    %sub3A_31 = arith.subf %sub3A_27, %sub3A_30 : vector<10000x64xf32>
    %swap3A = arith.constant 0 : index
    %swap3A_32 = arith.constant 0 : index
    %swap3A_33 = vector.load %arg5[%swap3A, %swap3A_32] : memref<10000x64xf32, #tpu.memory_space<vmem>>, vector<10000x64xf32>
    tpu.vector_store %arg5[%swap3A, %swap3A_32], %sub3A_31 {strides = array<i32>} : memref<10000x64xf32, #tpu.memory_space<vmem>>, vector<10000x64xf32>,
    return
  }
}

</mosaic_0001>

<sc_bundles>
// kernel: kernel.11.cloned.1.call-start
scs
__scs_entry_jumppad:
0x0: {  	(pc) =	sbr.rel $0x88, $3  }
0x1: {  	(tag) =	ssettag $0x0;
	lr =	simm.s32 $0x1  }
0x2: {  	[smem:$0x3F9B] =	sst lr;
	_ =	strace $0xD0000000  }
0x3: {  	_ = 	snop  }
0x4: {  	_ = 	snop  }
0x5: {  	_ = 	snop  }
0x6: {  	_ = 	snop  }
0x7: {  	_ = 	snop  }
__scs_overlays_trampoline_lowered:
0x8: {  	[smem:$0x3FAA] =	sst s0  }
0x9: {  	[smem:$0x3FAB] =	sst s1  }
0xa: {  	[smem:$0x3FAC] =	sst s2  }
0xb: {  	[smem:$0x3FAD] =	sst s3  }
0xc: {  	[smem:$0x3FAE] =	sst s4  }
0xd: {  	[smem:$0x3FAF] =	sst s5  }
0xe: {  	[smem:$0x3FB0] =	sst s6  }
0xf: {  	[smem:$0x3FB1] =	sst s7  }
0x10: {  	[smem:$0x3FB2] =	sst s8  }
0x11: {  	[smem:$0x3FB3] =	sst s9;
	s0 =	simm.s32 @!p0 $0x0  }
0x12: {  	s1 =	sld [smem:$0x3F99];
	s0 =	simm.s32 @p0 $0x1  }
0x13: {  	[smem:$0x3FB4] =	sst s0;
	s0 =	simm.s32 @!p1 $0x0  }
0x14: {  	s2 =	sld [smem:$0x3F98];
	s0 =	simm.s32 @p1 $0x1  }
0x15: {  	[smem:$0x3FB5] =	sst s0;
	s0 =	simm.s32 @!p2 $0x0  }
0x16: {  	s3 =	sld [smem:$0x3FDB];
	s0 =	simm.s32 @p2 $0x1  }
0x17: {  	s4 =	simm.s32 $0x1BF5;
	[smem:$0x3FB7] =	sst s0  }
0x18: {  	s0 =	sld [smem:$0x3F9A];
	_ =	swait.ge [sflag:s4], $0x0  }
0x19: {  	s7 =	sld [smem:$0x3F9B]  }
0x1a: {  	s8 =	sadd.s32 $0xFFFFE003, lr  }
0x1b: {  	s9 =	sadd.s32 $0xFFFFFEF7, lr;
	s5 =	simm.s32 $0xFFFFFFFF;
	p2 =	slt.u32 s8, $0xFFFFF086  }
0x1c: {  	p1 =	slt.u32 s9, $0xF7A;
	s5 =	simm.s32 @!p2 $0x0  }
0x1d: {  	s5 =	simm.s32 @p1 $0x1;
	p0 =	seq.s32 s7, s2  }
0x1e: {  	s7 =	smul.u32 @!p0 $0xF7A, s2;
	p2 =	seq.s32 @!p0 s5, $0x0  }
0x1f: {  	s9 =	smul.u32 $0xF7A, s1;
	s8 =	simm.s32 @!p0 $0x1BF5;
	p2 =	por !p2, p0  }
0x20: {  	[sflag:s8] =	ssyncset.s32 @!p0 $0xFFFFF086;
	s6 =	sadd.s32 @!p0 s3, s7;
	s7 =	simm.s32 @!p0 $0x108  }
0x21: {  	s3 =	sadd.s32 s3, s9;
	s6 =	sadd.s32 @!p0 $0x88, s6;
	s7 =	simm.s32 @p2 $0x1082  }
0x22: {  	[simem:s7], [sflag:s8] =	dma.local @!p0 [hbm:s6], $0xF7A  }
0x23: {  	s9 =	sor.u32 $0xD0000000, s2;
	s6 =	simm.s32 $0x108;
	_ =	swait.ge @!p0 [sflag:s8], $0x0  }
0x24: {  	s3 =	sadd.s32 $0x88, s3;
	s6 =	simm.s32 @!p1 $0x1082;
	[sflag:s4] =	ssyncset.s32 $0xFFFFF086  }
0x25: {  	[simem:s6], [sflag:s4] =	dma.local [hbm:s3], $0xF7A  }
0x26: {  	[smem:$0x3F9B] =	sst s1;
	(tag) =	ssettag s2;
	_ =	strace s9  }
0x27: {  	s1 =	sld [smem:$0x3FAB]  }
0x28: {  	s2 =	sld [smem:$0x3FAC]  }
0x29: {  	s4 =	sld [smem:$0x3FAE]  }
0x2a: {  	p0 =	seq.s32 s5, $0x0;
	s5 =	sld [smem:$0x3FAF]  }
0x2b: {  	s6 =	sld [smem:$0x3FB0]  }
0x2c: {  	s7 =	sld [smem:$0x3FB1]  }
0x2d: {  	s3 =	simm.s32 $0x108;
	s8 =	sld [smem:$0x3FB2]  }
0x2e: {  	s3 =	simm.s32 @!p0 $0x1082;
	s9 =	sld [smem:$0x3FB3]  }
0x2f: {  	lr =	sadd.s32 s0, s3;
	s0 =	sld [smem:$0x3FAA]  }
0x30: {  	s3 =	sld [smem:$0x3FAD]  }
0x31: {  	[smem:$0x3FB6] =	sst s10  }
0x32: {  	s10 =	sld [smem:$0x3FB4];
	_ =	sdelay $0x3  }
0x33: {  	p0 =	seq.s32 s10, $0x1;
	s10 =	sld [smem:$0x3FB6];
	_ =	sdelay $0x3  }
0x34: {  	[smem:$0x3FB6] =	sst s10  }
0x35: {  	s10 =	sld [smem:$0x3FB5];
	_ =	sdelay $0x3  }
0x36: {  	p1 =	seq.s32 s10, $0x1;
	s10 =	sld [smem:$0x3FB6];
	_ =	sdelay $0x3  }
0x37: {  	[smem:$0x3FB6] =	sst s10  }
0x38: {  	s10 =	sld [smem:$0x3FB7]  }
0x39: {  	_ = 	snop;
	(pc) =	sbr.ind lr, $3  }
0x3a: {  	_ = 	snop  }
0x3b: {  	_ = 	snop  }
0x3c: {  	p2 =	seq.s32 s10, $0x1;
	s10 =	sld [smem:$0x3FB6]  }
0x3d: {  	_ =	shalt  }
0x3e: {  	_ =	shalt  }
0x3f: {  	_ =	shalt  }
0x40: {  	_ =	shalt  }
0x41: {  	_ =	shalt  }
0x42: {  	_ =	shalt  }
0x43: {  	_ =	shalt  }
0x44: {  	_ =	shalt  }
0x45: {  	_ =	shalt  }
0x46: {  	_ =	shalt  }
0x47: {  	_ =	shalt  }
0x48: {  	_ =	shalt  }
0x49: {  	_ =	shalt  }
0x4a: {  	_ =	shalt  }
0x4b: {  	_ =	shalt  }
0x4c: {  	_ =	shalt  }
0x4d: {  	_ =	shalt  }
0x4e: {  	_ =	shalt  }
0x4f: {  	_ =	shalt  }
0x50: {  	_ =	shalt  }
0x51: {  	_ =	shalt  }
0x52: {  	_ =	shalt  }
0x53: {  	_ =	shalt  }
0x54: {  	_ =	shalt  }
0x55: {  	_ =	shalt  }
0x56: {  	_ =	shalt  }
0x57: {  	_ =	shalt  }
0x58: {  	_ =	shalt  }
0x59: {  	_ =	shalt  }
0x5a: {  	_ =	shalt  }
0x5b: {  	_ =	shalt  }
0x5c: {  	_ =	shalt  }
0x5d: {  	_ =	shalt  }
0x5e: {  	_ =	shalt  }
0x5f: {  	_ =	shalt  }
0x60: {  	_ =	shalt  }
0x61: {  	_ =	shalt  }
0x62: {  	_ =	shalt  }
0x63: {  	_ =	shalt  }
0x64: {  	_ =	shalt  }
0x65: {  	_ =	shalt  }
0x66: {  	_ =	shalt  }
0x67: {  	_ =	shalt  }
0x68: {  	_ =	shalt  }
0x69: {  	_ =	shalt  }
0x6a: {  	_ =	shalt  }
0x6b: {  	_ =	shalt  }
0x6c: {  	_ =	shalt  }
0x6d: {  	_ =	shalt  }
0x6e: {  	_ =	shalt  }
0x6f: {  	_ =	shalt  }
0x70: {  	_ =	shalt  }
0x71: {  	_ =	shalt  }
0x72: {  	_ =	shalt  }
0x73: {  	_ =	shalt  }
0x74: {  	_ =	shalt  }
0x75: {  	_ =	shalt  }
0x76: {  	_ =	shalt  }
0x77: {  	_ =	shalt  }
0x78: {  	_ =	shalt  }
0x79: {  	_ =	shalt  }
0x7a: {  	_ =	shalt  }
0x7b: {  	_ =	shalt  }
0x7c: {  	_ =	shalt  }
0x7d: {  	_ =	shalt  }
0x7e: {  	_ =	shalt  }
0x7f: {  	_ =	shalt  }
0x80: {  	_ =	shalt  }
0x81: {  	_ =	shalt  }
0x82: {  	_ =	shalt  }
0x83: {  	_ =	shalt  }
0x84: {  	_ =	shalt  }
0x85: {  	_ =	shalt  }
0x86: {  	_ =	shalt  }
0x87: {  	_ =	shalt  }
.Lfunc_end0:
.L_simem_size_0:
called_computation.1_lowered:
.L_overlay_start_0:
0x88: {  	s2 =	sld [smem:$0x3FD9]  }
0x89: {  	s3 =	sld [smem:$0x3FFE];
	_ =	sdelay $0x1  }
0x8a: {  	s1 =	srdreg.scid  }
0x8b: {  	s0 =	sand.u32 $0x1, s1  }
0x8c: {  	s17 =	sshll.u32 s0, $0xA;
	s2 =	sadd.s32 s3, s2  }
0x8d: {  	s2 =	sadd.s32 s2, s17  }
0x8e: {  	[smem:$0x3FC2] =	sst s2  }
0x8f: {  	_ = 	snop  }
0x90: {  	s2 =	sld [smem:$0x3FD0];
	(tm) =	ssettm $0x1  }
0x91: {  	s18 =	sld [smem:$0x3FFB];
	_ =	sdelay $0x3  }
0x92: {  	_ =	strace s18  }
0x93: {  	s3 =	sld [smem:$0x3FFC];
	_ =	sdelay $0x3  }
0x94: {  	_ =	strace s3  }
0x95: {  	s3 =	sld [smem:$0x3FFD];
	_ =	sdelay $0x3  }
0x96: {  	_ =	strace s3  }
0x97: {  	_ =	strace $0x8FFFFFFF  }
0x98: {  	s19 =	sld [smem:$0x3FDB];
	_ =	sdelay $0x1  }
0x99: {  	s4 =	simm.s32 $_scs_section_size  }
0x9a: {  	s5 =	simm.s32 $_size__tile_overlayer_lowered;
	s6 =	simm.s32 $_tile_overlayer_lowered  }
0x9b: {  	s22 =	simm.s32 $0x1BFF;
	s21 =	sshll.u32 s6, $0x1;
	s3 =	sadd.s32 s4, s19  }
0x9c: {  	s7 =	simm.s32 $0x0;
	s20 =	sshll.u32 s5, $0x1;
	s5 =	sadd.s32 s21, s3  }
0x9d: {  	[timem:s7], [sflag:s22] =	dma.local [hbm:s5], s20  }
0x9e: {  	_ =	swait.ge [sflag:s22], s20  }
0x9f: {  	s4 =	ssub.s32 $0x0, s20;
	[sflag:s22] =	ssyncset.done $0x0  }
0xa0: {  	[sflag:s22] =	ssyncadd.s32 s4;
	_ =	sdelay $0x1  }
0xa1: {  	s23 =	simm.s32 $0x1B8B  }
0xa2: {  	_ =	swait.ge [sflag:s23], $0x1  }
0xa3: {  	[sflag:s23] =	ssyncset.done $0x0  }
0xa4: {  	s25 =	simm.s32 $0x1B8E;
	s24 =	sld [smem:$0x3FFE];
	[sflag:s23] =	ssyncadd.s32 $0xFFFFFFFF  }
0xa5: {  	s26 =	simm.s32 $execute0_lowered;
	[smem:$0x3FD2] =	sst s25  }
0xa6: {  	s5 =	sshll.u32 s26, $0x1;
	_ =	strace $0x80000049;
	[dreg:$0x1] =	wrdreg $0xFFFFFFFF  }
0xa7: {  	s28 =	simm.s32 $_size_execute0_lowered;
	s3 =	sadd.s32 s3, s5;
	[dreg:$0x0] =	wrdreg $0x0  }
0xa8: {  	s5 =	sshll.u32 s28, $0x1;
	[dreg:$0x2] =	wrdreg s3  }
0xa9: {  	[dreg:$0x3] =	wrdreg s5  }
0xaa: {  	[dreg:$0x4] =	wrdreg $0xC0  }
0xab: {  	_ =	task [dreg:s7], $0x5FFFF  }
0xac: {  	[dreg:$0x1] =	wrdreg $0xFFFFFFFF  }
0xad: {  	[dreg:$0x0] =	wrdreg $0x60  }
0xae: {  	[dreg:$0x2] =	wrdreg s24  }
0xaf: {  	[dreg:$0x3] =	wrdreg s2  }
0xb0: {  	[dreg:$0x4] =	wrdreg $0xAEA00  }
0xb1: {  	[dreg:$0x5] =	wrdreg $0x87200  }
0xb2: {  	[dreg:$0x6] =	wrdreg $0x9  }
0xb3: {  	_ =	task.clear_ibuf [dreg:s7], $0x7FFFF;
	_ =	strace $0x90000049  }
0xb4: {  	s29 =	simm.s32 $0x9;
	_ =	strace $0x8000004B  }
0xb5: {  	_ =	swait.ge [sflag:s29], $0x1  }
0xb6: {  	[sflag:s29] =	ssyncadd.s32 $0xFFFFFFFF  }
0xb7: {  	_ =	strace $0x9000004B  }
0xb8: {  	_ =	sfence  }
0xb9: {  	s30 =	sld [smem:$0x0];
	_ =	sdelay $0x2  }
0xba: {  	s31 =	sshll.u32 s1, $0xD;
	s1 =	sshrl.u32 s1, $0x2  }
0xbb: {  	s3 =	sand.u32 $0x4000, s31;
	s1 =	sadd.s32 s1, s30  }
0xbc: {  	s0 =	sor.u32 s3, s0;
	s1 =	sshll.u32 s1, $0x11  }
0xbd: {  	s0 =	sor.u32 s1, s0  }
0xbe: {  	s0 =	sadd.s32 $0x8F2B, s0  }
0xbf: {  	[sflag:s0] =	ssyncadd.remote.s32 $0x1  }
0xc0: {  	_ =	sfence.sel $0xFFFF  }
0xc1: {  	[dreg:$0x0] =	wrdreg $0xFFFFFFFF;
	(pc) =	sbr.abs _section_cstart, $3  }
0xc2: {  	[dreg:$0x1] =	wrdreg $0xFFFFFFFF  }
0xc3: {  	_ =	task.clear_ibuf [dreg:s7], $0x2FFFF;
	_ =	strace $0x9FFFFFFF  }
0xc4: {  	(tm) =	ssettm $0x7FFFFFFF  }
0xc5: {  	_ =	shalt  }
tec
execute0_lowered:
.L_overlay_start_1:
0x0: {  	(tag) =	ssettag $0x1  }
0x1: {  	s5 =	rddreg [dreg:$0x0]  }
0x2: {  	s6 =	rddreg [dreg:$0x1]  }
0x3: {  	s2 =	rddreg [dreg:$0x2]  }
0x4: {  	s3 =	rddreg [dreg:$0x3]  }
0x5: {  	s0 =	rddreg [dreg:$0x4];
	s1 =	stileid.u32  }
0x6: {  	s7 =	srdreg.scid;
	s4 =	simm.s32 $0x0;
	s15 =	simm.s32 $0x5FA0  }
0x7: {  	s16 =	simm.s32 $0x7D;
	s17 =	simm.s32 $0x5000;
	s18 =	simm.s32 $0x80  }
0x8: {  	s19 =	simm.s32 $0x57D0;
	s20 =	simm.s32 $0x1;
	s21 =	simm.s32 $0x2  }
0x9: {  	s22 =	simm.s32 $0x4F00;
	s23 =	simm.s32 $0x4F80;
	s25 =	simm.s32 $0x0  }
0xa: {  	s8 =	smul.u32 $0x2780, s1;
	s7 =	sand.u32 $0x1, s7;
	[smem:$0x7FF] =	sst s4  }
0xb: {  	s31 =	sshll.u32 s1, $0x6;
	s9 =	sshll.u32 s7, $0x4;
	s10 =	smul.u32 $0x27800, s7  }
0xc: {  	_ =	strace $0x8000004A;
	s7 =	ssub.s32 $0x2, s7;
	s9 =	sor.u32 s1, s9  }
0xd: {  	s11 =	sshrl.u32 s8, $0x3;
	s30 =	sshrl.u32 s7, $0x1;
	s14 =	sadd.s32 s8, s2  }
0xe: {  	s9 =	smul.u32 $0x500, s9;
	s10 =	sadd.s32 s8, s10;
	s11 =	sadd.s32 s11, s5  }
0xf: {  	s13 =	ssub.s32 s7, s30;
	s8 =	sadd.s32 s8, s3;
	s14 =	sshrl.u32 s14, $0x3  }
0x10: {  	s10 =	sshrl.u32 s10, $0x3;
	s7 =	sadd.s32 $0x1600, s11;
	s11 =	simm.s32 $0x3  }
0x11: {  	s24 =	sshrl.u32 s8, $0x3;
	s12 =	sadd.s32 s9, s5;
	s10 =	sadd.s32 s10, s5  }
0x12: {  	s5 =	sadd.s32 s6, s9;
	s6 =	sadd.s32 $0x5A400, s12;
	s9 =	sadd.s32 $0x6600, s10  }
0x13: {  	v0 =	vimm.f32 $0.0e+00;
	s10 =	smax.u32 s13, $0x1;
	s12 =	simm.s32 $0x2800;
	s13 =	sor.u32 $0x1C03, s31  }
.LBB2_1:
0x14: {  	[tilespmem:s4], [sflag:$0x3] =	stream.linear.gather [hbm4b:s5+s4], $0x2800, $0x38;
	[tilespmem:$0xD620] =	vst v63  }
0x15: {  	_ =	swait.ge [sflag:s11], $0x2800  }
0x16: {  	[sflag:s11] =	ssyncset.done $0x0  }
0x17: {  	[sflag:s11] =	ssyncadd.s32 $0xFFFFD800  }
0x18: {  	[tilespmem:s12], [sflag:$0x3] =	stream.linear.gather [hbm4b:s6+s4], $0x2800, $0x38;
	[tilespmem:$0xD620] =	vst v63  }
0x19: {  	_ =	swait.ge [sflag:s11], $0x2800  }
0x1a: {  	[sflag:s11] =	ssyncset.done $0x0  }
0x1b: {  	[sflag:s11] =	ssyncadd.s32 $0xFFFFD800  }
0x1c: {  	[spmem:s14], [sflag:s13] =	dma.local [hbm:s7], $0x4F0  }
0x1d: {  	_ =	swait.ge [sflag:s11], $0x4F0  }
0x1e: {  	[sflag:s11] =	ssyncset.done $0x0  }
0x1f: {  	s26 =	simm.s32 $0x40;
	s28 =	simm.s32 $0x0;
	[sflag:s11] =	ssyncadd.s32 $0xFFFFFB10  }
.LBB2_2:
0x20: {  	p0 =	sne.s32 s26, $0x9DC0;
	[tilespmem:s28+$0x5FA0] =	vst v0;
	s28 =	smov.u32 s26;
	s26 =	sadd.s32 $0x40, s26  }
.Ltmp0:
0x21: {  	(pc) =	sbr.rel @p0 .LBB2_2-.Ltmp0, $2  }
0x22: {  	_ =	sdelay $0x2  }
0x23: {  	s28 =	sshra.s32 s28, $0x2  }
0x24: {  	[tilespmem:s28+$0x5FA0] =	vst v0  }
0x25: {  	[spmem:s8] =	stream.linear.scatter [tilespmem:s15], [sflag:$0x3], $0x2780, $0x38;
	[tilespmem:$0xD620] =	vst v63  }
0x26: {  	_ =	swait.ge [sflag:s11], $0x2780  }
0x27: {  	[sflag:s11] =	ssyncset.done $0x0  }
0x28: {  	[sflag:s11] =	ssyncadd.s32 $0xFFFFD880  }
0x29: {  	s26 =	simm.s32 $0x0;
	[bflag:$0x0] =	sbarrier.arrive $0xFFFF  }
0x2a: {  	[tilespmem:s17], [sflag:$0x1] =	stream.indirect.gather [spmem:s2], $0x10, s26, s16, $0xb8;
	[tilespmem:$0xD620] =	vst v63  }
0x2b: {  	_ = 	snop  }
0x2c: {  	[tilespmem:s19], [sflag:$0x2] =	stream.indirect.gather [spmem:s2], $0x10, s18, s16, $0xb8;
	[tilespmem:$0xD620] =	vst v63  }
0x2d: {  	_ =	swait.ge [sflag:s20], $0x7D0  }
0x2e: {  	[sflag:s20] =	ssyncset.done $0x0  }
0x2f: {  	s29 =	simm.s32 $0x2800;
	[sflag:s20] =	ssyncadd.s32 $0xFFFFF830  }
0x30: {  	[spmem:s3] =	stream.indirect.scatter.add.f32 [tilespmem:s17], [sflag:$0x3], $0x10, s29, s16, $0xb8;
	[tilespmem:$0xD620] =	vst v63  }
0x31: {  	_ =	swait.ge [sflag:s11], $0x7D0  }
0x32: {  	[sflag:s11] =	ssyncset.done $0x0  }
0x33: {  	s30 =	simm.s32 $0x100;
	[sflag:s11] =	ssyncadd.s32 $0xFFFFF830  }
0x34: {  	[tilespmem:s17], [sflag:$0x1] =	stream.indirect.gather [spmem:s2], $0x10, s30, s16, $0xb8;
	[tilespmem:$0xD620] =	vst v63  }
0x35: {  	_ =	swait.ge [sflag:s21], $0x7D0  }
0x36: {  	[sflag:s21] =	ssyncset.done $0x0  }
0x37: {  	s31 =	simm.s32 $0x2880;
	[sflag:s21] =	ssyncadd.s32 $0xFFFFF830  }
0x38: {  	[spmem:s3] =	stream.indirect.scatter.add.f32 [tilespmem:s19], [sflag:$0x3], $0x10, s31, s16, $0xb8;
	[tilespmem:$0xD620] =	vst v63  }
0x39: {  	_ =	swait.ge [sflag:s11], $0x7D0  }
0x3a: {  	[sflag:s11] =	ssyncset.done $0x0  }
0x3b: {  	s28 =	simm.s32 $0x180;
	s26 =	simm.s32 $0x400;
	[sflag:s11] =	ssyncadd.s32 $0xFFFFF830  }
.LBB2_4:
0x3c: {  	[tilespmem:s19], [sflag:$0x2] =	stream.indirect.gather [spmem:s2], $0x10, s28, s16, $0xb8;
	[tilespmem:$0xD620] =	vst v63  }
0x3d: {  	s28 =	smov.u32 s26  }
0x3e: {  	p0 =	sne.s32 s26, $0x9800;
	s26 =	sadd.s32 $0x400, s26;
	_ =	swait.ge [sflag:s20], $0x7D0  }
0x3f: {  	s28 =	sshra.s32 s28, $0x2;
	[sflag:s20] =	ssyncset.done $0x0  }
0x40: {  	s29 =	sadd.s32 $0x2800, s28;
	[sflag:s20] =	ssyncadd.s32 $0xFFFFF830  }
0x41: {  	[spmem:s3] =	stream.indirect.scatter.add.f32 [tilespmem:s17], [sflag:$0x3], $0x10, s29, s16, $0xb8;
	[tilespmem:$0xD620] =	vst v63  }
0x42: {  	_ =	swait.ge [sflag:s11], $0x7D0  }
0x43: {  	[sflag:s11] =	ssyncset.done $0x0  }
0x44: {  	s29 =	sadd.s32 $0x100, s28;
	[sflag:s11] =	ssyncadd.s32 $0xFFFFF830  }
0x45: {  	[tilespmem:s17], [sflag:$0x1] =	stream.indirect.gather [spmem:s2], $0x10, s29, s16, $0xb8;
	[tilespmem:$0xD620] =	vst v63  }
0x46: {  	_ =	swait.ge [sflag:s21], $0x7D0  }
0x47: {  	[sflag:s21] =	ssyncset.done $0x0  }
.Ltmp1:
0x48: {  	s29 =	sadd.s32 $0x2880, s28;
	[sflag:s21] =	ssyncadd.s32 $0xFFFFF830;
	(pc) =	sbr.rel @p0 .LBB2_4-.Ltmp1, $4  }
0x49: {  	[spmem:s3] =	stream.indirect.scatter.add.f32 [tilespmem:s19], [sflag:$0x3], $0x10, s29, s16, $0xb8;
	[tilespmem:$0xD620] =	vst v63  }
0x4a: {  	_ =	swait.ge [sflag:s11], $0x7D0  }
0x4b: {  	[sflag:s11] =	ssyncset.done $0x0  }
0x4c: {  	s28 =	sadd.s32 $0x180, s28;
	[sflag:s11] =	ssyncadd.s32 $0xFFFFF830  }
0x4d: {  	[tilespmem:s19], [sflag:$0x2] =	stream.indirect.gather [spmem:s2], $0x10, s28, s16, $0xb8;
	[tilespmem:$0xD620] =	vst v63  }
0x4e: {  	_ =	swait.ge [sflag:s20], $0x7D0  }
0x4f: {  	[sflag:s20] =	ssyncset.done $0x0  }
0x50: {  	[sflag:s20] =	ssyncadd.s32 $0xFFFFF830  }
0x51: {  	[spmem:s3] =	stream.indirect.scatter.add.f32 [tilespmem:s17], [sflag:$0x3], $0x10, s22, s16, $0xb8;
	[tilespmem:$0xD620] =	vst v63  }
0x52: {  	_ =	swait.ge [sflag:s11], $0x7D0  }
0x53: {  	[sflag:s11] =	ssyncset.done $0x0  }
0x54: {  	[sflag:s11] =	ssyncadd.s32 $0xFFFFF830  }
0x55: {  	_ =	swait.ge [sflag:s21], $0x7D0  }
0x56: {  	[sflag:s21] =	ssyncset.done $0x0  }
0x57: {  	[sflag:s21] =	ssyncadd.s32 $0xFFFFF830  }
0x58: {  	[spmem:s3] =	stream.indirect.scatter.add.f32 [tilespmem:s19], [sflag:$0x3], $0x10, s23, s16, $0xb8;
	[tilespmem:$0xD620] =	vst v63  }
0x59: {  	_ =	swait.ge [sflag:s11], $0x7D0  }
0x5a: {  	s25 =	sadd.s32 $0x1, s25;
	[sflag:s11] =	ssyncset.done $0x0  }
0x5b: {  	p0 =	sne.s32 s25, s10;
	[sflag:s11] =	ssyncadd.s32 $0xFFFFF830  }
.Ltmp2:
0x5c: {  	[bflag:$0x0] =	sbarrier.arrive $0xFFFF;
	(pc) =	sbr.rel @p0 .LBB2_1-.Ltmp2, $4  }
0x5d: {  	[hbm:s9], [sflag:s13] =	dma.local [spmem:s24], $0x4F0  }
0x5e: {  	_ =	swait.ge [sflag:s11], $0x4F0  }
0x5f: {  	[sflag:s11] =	ssyncset.done $0x0  }
0x60: {  	[sflag:s11] =	ssyncadd.s32 $0xFFFFFB10  }
0x61: {  	_ =	sfence.sel $0x180000  }
0x62: {  	[bflag:$0x0] =	sbarrier.arrive $0xFFFF  }
0x63: {  	p0 =	sne.s32 s1, $0x0;
	_ =	strace $0x9000004A  }
0x64: {  	s0 =	sadd.s32 @!p0 $0x100000, s0;
	[bflag:$0x2] =	sbarrier.arrive $0xFFFF  }
0x65: {  	[sflag:s0] =	ssyncadd.tile.s32 @!p0 $0x1;
	_ =	shalt  }
.Lfunc_end2:
_tile_overlayer_lowered:
.L_overlay_start_2:
0x66: {  	(tag) =	ssettag $0x2  }
0x67: {  	s0 =	rddreg [dreg:$0x0];
	s2 =	stileid.u32  }
0x68: {  	s1 =	rddreg [dreg:$0x1];
	p0 =	sne.s32 s2, $0x0  }
0x69: {  	s3 =	rddreg [dreg:$0x2];
	[bflag:$0x3] =	sbarrier.arrive $0xFFFF;
	s2 =	simm.s32 @!p0 $0x1C03  }
0x6a: {  	[timem:s3], [sflag:s2] =	dma.local @!p0 [hbm:s0], s1  }
0x6b: {  	s0 =	simm.s32 @!p0 $0x3  }
0x6c: {  	_ =	swait.ge @!p0 [sflag:s0], s1  }
0x6d: {  	s1 =	ssub.s32 @!p0 $0x0, s1;
	[sflag:s0] =	ssyncset.done @!p0 $0x0  }
0x6e: {  	[sflag:s0] =	ssyncadd.s32 @!p0 s1  }
0x6f: {  	[bflag:$0x3] =	sbarrier.arrive $0xFFFF  }
0x70: {  	_ =	shalt  }

// kernel: kernel.14.cloned.1.call-start
scs
__scs_entry_jumppad:
0x0: {  	(pc) =	sbr.rel $0x88, $3  }
0x1: {  	(tag) =	ssettag $0x0;
	lr =	simm.s32 $0x1  }
0x2: {  	[smem:$0x3F9B] =	sst lr;
	_ =	strace $0xD0000000  }
0x3: {  	_ = 	snop  }
0x4: {  	_ = 	snop  }
0x5: {  	_ = 	snop  }
0x6: {  	_ = 	snop  }
0x7: {  	_ = 	snop  }
__scs_overlays_trampoline_lowered:
0x8: {  	[smem:$0x3FAA] =	sst s0  }
0x9: {  	[smem:$0x3FAB] =	sst s1  }
0xa: {  	[smem:$0x3FAC] =	sst s2  }
0xb: {  	[smem:$0x3FAD] =	sst s3  }
0xc: {  	[smem:$0x3FAE] =	sst s4  }
0xd: {  	[smem:$0x3FAF] =	sst s5  }
0xe: {  	[smem:$0x3FB0] =	sst s6  }
0xf: {  	[smem:$0x3FB1] =	sst s7  }
0x10: {  	[smem:$0x3FB2] =	sst s8  }
0x11: {  	[smem:$0x3FB3] =	sst s9;
	s0 =	simm.s32 @!p0 $0x0  }
0x12: {  	s1 =	sld [smem:$0x3F99];
	s0 =	simm.s32 @p0 $0x1  }
0x13: {  	[smem:$0x3FB4] =	sst s0;
	s0 =	simm.s32 @!p1 $0x0  }
0x14: {  	s2 =	sld [smem:$0x3F98];
	s0 =	simm.s32 @p1 $0x1  }
0x15: {  	[smem:$0x3FB5] =	sst s0;
	s0 =	simm.s32 @!p2 $0x0  }
0x16: {  	s3 =	sld [smem:$0x3FDB];
	s0 =	simm.s32 @p2 $0x1  }
0x17: {  	s4 =	simm.s32 $0x1BF5;
	[smem:$0x3FB7] =	sst s0  }
0x18: {  	s0 =	sld [smem:$0x3F9A];
	_ =	swait.ge [sflag:s4], $0x0  }
0x19: {  	s7 =	sld [smem:$0x3F9B]  }
0x1a: {  	s8 =	sadd.s32 $0xFFFFE003, lr  }
0x1b: {  	s9 =	sadd.s32 $0xFFFFFEF7, lr;
	s5 =	simm.s32 $0xFFFFFFFF;
	p2 =	slt.u32 s8, $0xFFFFF086  }
0x1c: {  	p1 =	slt.u32 s9, $0xF7A;
	s5 =	simm.s32 @!p2 $0x0  }
0x1d: {  	s5 =	simm.s32 @p1 $0x1;
	p0 =	seq.s32 s7, s2  }
0x1e: {  	s7 =	smul.u32 @!p0 $0xF7A, s2;
	p2 =	seq.s32 @!p0 s5, $0x0  }
0x1f: {  	s9 =	smul.u32 $0xF7A, s1;
	s8 =	simm.s32 @!p0 $0x1BF5;
	p2 =	por !p2, p0  }
0x20: {  	[sflag:s8] =	ssyncset.s32 @!p0 $0xFFFFF086;
	s6 =	sadd.s32 @!p0 s3, s7;
	s7 =	simm.s32 @!p0 $0x108  }
0x21: {  	s3 =	sadd.s32 s3, s9;
	s6 =	sadd.s32 @!p0 $0x88, s6;
	s7 =	simm.s32 @p2 $0x1082  }
0x22: {  	[simem:s7], [sflag:s8] =	dma.local @!p0 [hbm:s6], $0xF7A  }
0x23: {  	s9 =	sor.u32 $0xD0000000, s2;
	s6 =	simm.s32 $0x108;
	_ =	swait.ge @!p0 [sflag:s8], $0x0  }
0x24: {  	s3 =	sadd.s32 $0x88, s3;
	s6 =	simm.s32 @!p1 $0x1082;
	[sflag:s4] =	ssyncset.s32 $0xFFFFF086  }
0x25: {  	[simem:s6], [sflag:s4] =	dma.local [hbm:s3], $0xF7A  }
0x26: {  	[smem:$0x3F9B] =	sst s1;
	(tag) =	ssettag s2;
	_ =	strace s9  }
0x27: {  	s1 =	sld [smem:$0x3FAB]  }
0x28: {  	s2 =	sld [smem:$0x3FAC]  }
0x29: {  	s4 =	sld [smem:$0x3FAE]  }
0x2a: {  	p0 =	seq.s32 s5, $0x0;
	s5 =	sld [smem:$0x3FAF]  }
0x2b: {  	s6 =	sld [smem:$0x3FB0]  }
0x2c: {  	s7 =	sld [smem:$0x3FB1]  }
0x2d: {  	s3 =	simm.s32 $0x108;
	s8 =	sld [smem:$0x3FB2]  }
0x2e: {  	s3 =	simm.s32 @!p0 $0x1082;
	s9 =	sld [smem:$0x3FB3]  }
0x2f: {  	lr =	sadd.s32 s0, s3;
	s0 =	sld [smem:$0x3FAA]  }
0x30: {  	s3 =	sld [smem:$0x3FAD]  }
0x31: {  	[smem:$0x3FB6] =	sst s10  }
0x32: {  	s10 =	sld [smem:$0x3FB4];
	_ =	sdelay $0x3  }
0x33: {  	p0 =	seq.s32 s10, $0x1;
	s10 =	sld [smem:$0x3FB6];
	_ =	sdelay $0x3  }
0x34: {  	[smem:$0x3FB6] =	sst s10  }
0x35: {  	s10 =	sld [smem:$0x3FB5];
	_ =	sdelay $0x3  }
0x36: {  	p1 =	seq.s32 s10, $0x1;
	s10 =	sld [smem:$0x3FB6];
	_ =	sdelay $0x3  }
0x37: {  	[smem:$0x3FB6] =	sst s10  }
0x38: {  	s10 =	sld [smem:$0x3FB7]  }
0x39: {  	_ = 	snop;
	(pc) =	sbr.ind lr, $3  }
0x3a: {  	_ = 	snop  }
0x3b: {  	_ = 	snop  }
0x3c: {  	p2 =	seq.s32 s10, $0x1;
	s10 =	sld [smem:$0x3FB6]  }
0x3d: {  	_ =	shalt  }
0x3e: {  	_ =	shalt  }
0x3f: {  	_ =	shalt  }
0x40: {  	_ =	shalt  }
0x41: {  	_ =	shalt  }
0x42: {  	_ =	shalt  }
0x43: {  	_ =	shalt  }
0x44: {  	_ =	shalt  }
0x45: {  	_ =	shalt  }
0x46: {  	_ =	shalt  }
0x47: {  	_ =	shalt  }
0x48: {  	_ =	shalt  }
0x49: {  	_ =	shalt  }
0x4a: {  	_ =	shalt  }
0x4b: {  	_ =	shalt  }
0x4c: {  	_ =	shalt  }
0x4d: {  	_ =	shalt  }
0x4e: {  	_ =	shalt  }
0x4f: {  	_ =	shalt  }
0x50: {  	_ =	shalt  }
0x51: {  	_ =	shalt  }
0x52: {  	_ =	shalt  }
0x53: {  	_ =	shalt  }
0x54: {  	_ =	shalt  }
0x55: {  	_ =	shalt  }
0x56: {  	_ =	shalt  }
0x57: {  	_ =	shalt  }
0x58: {  	_ =	shalt  }
0x59: {  	_ =	shalt  }
0x5a: {  	_ =	shalt  }
0x5b: {  	_ =	shalt  }
0x5c: {  	_ =	shalt  }
0x5d: {  	_ =	shalt  }
0x5e: {  	_ =	shalt  }
0x5f: {  	_ =	shalt  }
0x60: {  	_ =	shalt  }
0x61: {  	_ =	shalt  }
0x62: {  	_ =	shalt  }
0x63: {  	_ =	shalt  }
0x64: {  	_ =	shalt  }
0x65: {  	_ =	shalt  }
0x66: {  	_ =	shalt  }
0x67: {  	_ =	shalt  }
0x68: {  	_ =	shalt  }
0x69: {  	_ =	shalt  }
0x6a: {  	_ =	shalt  }
0x6b: {  	_ =	shalt  }
0x6c: {  	_ =	shalt  }
0x6d: {  	_ =	shalt  }
0x6e: {  	_ =	shalt  }
0x6f: {  	_ =	shalt  }
0x70: {  	_ =	shalt  }
0x71: {  	_ =	shalt  }
0x72: {  	_ =	shalt  }
0x73: {  	_ =	shalt  }
0x74: {  	_ =	shalt  }
0x75: {  	_ =	shalt  }
0x76: {  	_ =	shalt  }
0x77: {  	_ =	shalt  }
0x78: {  	_ =	shalt  }
0x79: {  	_ =	shalt  }
0x7a: {  	_ =	shalt  }
0x7b: {  	_ =	shalt  }
0x7c: {  	_ =	shalt  }
0x7d: {  	_ =	shalt  }
0x7e: {  	_ =	shalt  }
0x7f: {  	_ =	shalt  }
0x80: {  	_ =	shalt  }
0x81: {  	_ =	shalt  }
0x82: {  	_ =	shalt  }
0x83: {  	_ =	shalt  }
0x84: {  	_ =	shalt  }
0x85: {  	_ =	shalt  }
0x86: {  	_ =	shalt  }
0x87: {  	_ =	shalt  }
.Lfunc_end0:
.L_simem_size_0:
called_computation.2_lowered:
.L_overlay_start_0:
0x88: {  	s2 =	sld [smem:$0x3FD9]  }
0x89: {  	s3 =	sld [smem:$0x3FFE];
	_ =	sdelay $0x1  }
0x8a: {  	s1 =	srdreg.scid  }
0x8b: {  	s0 =	sand.u32 $0x1, s1  }
0x8c: {  	s17 =	sshll.u32 s0, $0xA;
	s2 =	sadd.s32 s3, s2  }
0x8d: {  	s2 =	sadd.s32 s2, s17  }
0x8e: {  	[smem:$0x3FC2] =	sst s2  }
0x8f: {  	_ = 	snop  }
0x90: {  	s2 =	sld [smem:$0x3FD0];
	(tm) =	ssettm $0x1  }
0x91: {  	s18 =	sld [smem:$0x3FFB];
	_ =	sdelay $0x3  }
0x92: {  	_ =	strace s18  }
0x93: {  	s3 =	sld [smem:$0x3FFC];
	_ =	sdelay $0x3  }
0x94: {  	_ =	strace s3  }
0x95: {  	s3 =	sld [smem:$0x3FFD];
	_ =	sdelay $0x3  }
0x96: {  	_ =	strace s3  }
0x97: {  	_ =	strace $0x8FFFFFFF  }
0x98: {  	s19 =	sld [smem:$0x3FDB];
	_ =	sdelay $0x1  }
0x99: {  	s4 =	simm.s32 $_scs_section_size  }
0x9a: {  	s5 =	simm.s32 $_size__tile_overlayer_lowered;
	s6 =	simm.s32 $_tile_overlayer_lowered  }
0x9b: {  	s22 =	simm.s32 $0x1BFF;
	s21 =	sshll.u32 s6, $0x1;
	s3 =	sadd.s32 s4, s19  }
0x9c: {  	s7 =	simm.s32 $0x0;
	s20 =	sshll.u32 s5, $0x1;
	s5 =	sadd.s32 s21, s3  }
0x9d: {  	[timem:s7], [sflag:s22] =	dma.local [hbm:s5], s20  }
0x9e: {  	_ =	swait.ge [sflag:s22], s20  }
0x9f: {  	s4 =	ssub.s32 $0x0, s20;
	[sflag:s22] =	ssyncset.done $0x0  }
0xa0: {  	[sflag:s22] =	ssyncadd.s32 s4;
	_ =	sdelay $0x1  }
0xa1: {  	s23 =	simm.s32 $0x1B8B  }
0xa2: {  	_ =	swait.ge [sflag:s23], $0x1  }
0xa3: {  	[sflag:s23] =	ssyncset.done $0x0  }
0xa4: {  	s25 =	simm.s32 $0x1B8E;
	s24 =	sld [smem:$0x3FFE];
	[sflag:s23] =	ssyncadd.s32 $0xFFFFFFFF  }
0xa5: {  	s26 =	simm.s32 $execute0_lowered;
	[smem:$0x3FD2] =	sst s25  }
0xa6: {  	s5 =	sshll.u32 s26, $0x1;
	_ =	strace $0x8000004C;
	[dreg:$0x1] =	wrdreg $0xFFFFFFFF  }
0xa7: {  	s28 =	simm.s32 $_size_execute0_lowered;
	s3 =	sadd.s32 s3, s5;
	[dreg:$0x0] =	wrdreg $0x0  }
0xa8: {  	s5 =	sshll.u32 s28, $0x1;
	[dreg:$0x2] =	wrdreg s3  }
0xa9: {  	[dreg:$0x3] =	wrdreg s5  }
0xaa: {  	[dreg:$0x4] =	wrdreg $0xC0  }
0xab: {  	_ =	task [dreg:s7], $0x5FFFF  }
0xac: {  	[dreg:$0x1] =	wrdreg $0xFFFFFFFF  }
0xad: {  	[dreg:$0x0] =	wrdreg $0x60  }
0xae: {  	[dreg:$0x2] =	wrdreg s24  }
0xaf: {  	[dreg:$0x3] =	wrdreg s2  }
0xb0: {  	[dreg:$0x4] =	wrdreg $0xAEA00  }
0xb1: {  	[dreg:$0x5] =	wrdreg $0x87200  }
0xb2: {  	[dreg:$0x6] =	wrdreg $0x9  }
0xb3: {  	_ =	task.clear_ibuf [dreg:s7], $0x7FFFF;
	_ =	strace $0x9000004C  }
0xb4: {  	s29 =	simm.s32 $0x9;
	_ =	strace $0x8000004E  }
0xb5: {  	_ =	swait.ge [sflag:s29], $0x1  }
0xb6: {  	[sflag:s29] =	ssyncadd.s32 $0xFFFFFFFF  }
0xb7: {  	_ =	strace $0x9000004E  }
0xb8: {  	_ =	sfence  }
0xb9: {  	s30 =	sld [smem:$0x0];
	_ =	sdelay $0x2  }
0xba: {  	s31 =	sshll.u32 s1, $0xD;
	s1 =	sshrl.u32 s1, $0x2  }
0xbb: {  	s3 =	sand.u32 $0x4000, s31;
	s1 =	sadd.s32 s1, s30  }
0xbc: {  	s0 =	sor.u32 s3, s0;
	s1 =	sshll.u32 s1, $0x11  }
0xbd: {  	s0 =	sor.u32 s1, s0  }
0xbe: {  	s0 =	sadd.s32 $0x8F2B, s0  }
0xbf: {  	[sflag:s0] =	ssyncadd.remote.s32 $0x1  }
0xc0: {  	_ =	sfence.sel $0xFFFF  }
0xc1: {  	[dreg:$0x0] =	wrdreg $0xFFFFFFFF;
	(pc) =	sbr.abs _section_cstart, $3  }
0xc2: {  	[dreg:$0x1] =	wrdreg $0xFFFFFFFF  }
0xc3: {  	_ =	task.clear_ibuf [dreg:s7], $0x2FFFF;
	_ =	strace $0x9FFFFFFF  }
0xc4: {  	(tm) =	ssettm $0x7FFFFFFF  }
0xc5: {  	_ =	shalt  }
tec
execute0_lowered:
.L_overlay_start_1:
0x0: {  	(tag) =	ssettag $0x1  }
0x1: {  	s5 =	rddreg [dreg:$0x0]  }
0x2: {  	s6 =	rddreg [dreg:$0x1]  }
0x3: {  	s2 =	rddreg [dreg:$0x2]  }
0x4: {  	s3 =	rddreg [dreg:$0x3]  }
0x5: {  	s0 =	rddreg [dreg:$0x4];
	s1 =	stileid.u32  }
0x6: {  	s7 =	srdreg.scid;
	s4 =	simm.s32 $0x0;
	s15 =	simm.s32 $0x5FA0  }
0x7: {  	s16 =	simm.s32 $0x7D;
	s17 =	simm.s32 $0x5000;
	s18 =	simm.s32 $0x80  }
0x8: {  	s19 =	simm.s32 $0x57D0;
	s20 =	simm.s32 $0x1;
	s21 =	simm.s32 $0x2  }
0x9: {  	s22 =	simm.s32 $0x4F00;
	s23 =	simm.s32 $0x4F80;
	s25 =	simm.s32 $0x0  }
0xa: {  	s8 =	smul.u32 $0x2780, s1;
	s7 =	sand.u32 $0x1, s7;
	[smem:$0x7FF] =	sst s4  }
0xb: {  	s31 =	sshll.u32 s1, $0x6;
	s9 =	sshll.u32 s7, $0x4;
	s10 =	smul.u32 $0x27800, s7  }
0xc: {  	_ =	strace $0x8000004D;
	s7 =	ssub.s32 $0x2, s7;
	s9 =	sor.u32 s1, s9  }
0xd: {  	s11 =	sshrl.u32 s8, $0x3;
	s30 =	sshrl.u32 s7, $0x1;
	s14 =	sadd.s32 s8, s2  }
0xe: {  	s9 =	smul.u32 $0x500, s9;
	s10 =	sadd.s32 s8, s10;
	s11 =	sadd.s32 s11, s5  }
0xf: {  	s13 =	ssub.s32 s7, s30;
	s8 =	sadd.s32 s8, s3;
	s14 =	sshrl.u32 s14, $0x3  }
0x10: {  	s10 =	sshrl.u32 s10, $0x3;
	s7 =	sadd.s32 $0x1600, s11;
	s11 =	simm.s32 $0x3  }
0x11: {  	s24 =	sshrl.u32 s8, $0x3;
	s12 =	sadd.s32 s9, s5;
	s10 =	sadd.s32 s10, s5  }
0x12: {  	s5 =	sadd.s32 s6, s9;
	s6 =	sadd.s32 $0x5A400, s12;
	s9 =	sadd.s32 $0x6600, s10  }
0x13: {  	v0 =	vimm.f32 $0.0e+00;
	s10 =	smax.u32 s13, $0x1;
	s12 =	simm.s32 $0x2800;
	s13 =	sor.u32 $0x1C03, s31  }
.LBB2_1:
0x14: {  	[tilespmem:s4], [sflag:$0x3] =	stream.linear.gather [hbm4b:s5+s4], $0x2800, $0x38;
	[tilespmem:$0xD620] =	vst v63  }
0x15: {  	_ =	swait.ge [sflag:s11], $0x2800  }
0x16: {  	[sflag:s11] =	ssyncset.done $0x0  }
0x17: {  	[sflag:s11] =	ssyncadd.s32 $0xFFFFD800  }
0x18: {  	[tilespmem:s12], [sflag:$0x3] =	stream.linear.gather [hbm4b:s6+s4], $0x2800, $0x38;
	[tilespmem:$0xD620] =	vst v63  }
0x19: {  	_ =	swait.ge [sflag:s11], $0x2800  }
0x1a: {  	[sflag:s11] =	ssyncset.done $0x0  }
0x1b: {  	[sflag:s11] =	ssyncadd.s32 $0xFFFFD800  }
0x1c: {  	[spmem:s14], [sflag:s13] =	dma.local [hbm:s7], $0x4F0  }
0x1d: {  	_ =	swait.ge [sflag:s11], $0x4F0  }
0x1e: {  	[sflag:s11] =	ssyncset.done $0x0  }
0x1f: {  	s26 =	simm.s32 $0x40;
	s28 =	simm.s32 $0x0;
	[sflag:s11] =	ssyncadd.s32 $0xFFFFFB10  }
.LBB2_2:
0x20: {  	p0 =	sne.s32 s26, $0x9DC0;
	[tilespmem:s28+$0x5FA0] =	vst v0;
	s28 =	smov.u32 s26;
	s26 =	sadd.s32 $0x40, s26  }
.Ltmp0:
0x21: {  	(pc) =	sbr.rel @p0 .LBB2_2-.Ltmp0, $2  }
0x22: {  	_ =	sdelay $0x2  }
0x23: {  	s28 =	sshra.s32 s28, $0x2  }
0x24: {  	[tilespmem:s28+$0x5FA0] =	vst v0  }
0x25: {  	[spmem:s8] =	stream.linear.scatter [tilespmem:s15], [sflag:$0x3], $0x2780, $0x38;
	[tilespmem:$0xD620] =	vst v63  }
0x26: {  	_ =	swait.ge [sflag:s11], $0x2780  }
0x27: {  	[sflag:s11] =	ssyncset.done $0x0  }
0x28: {  	[sflag:s11] =	ssyncadd.s32 $0xFFFFD880  }
0x29: {  	s26 =	simm.s32 $0x0;
	[bflag:$0x0] =	sbarrier.arrive $0xFFFF  }
0x2a: {  	[tilespmem:s17], [sflag:$0x1] =	stream.indirect.gather [spmem:s2], $0x10, s26, s16, $0xb8;
	[tilespmem:$0xD620] =	vst v63  }
0x2b: {  	_ = 	snop  }
0x2c: {  	[tilespmem:s19], [sflag:$0x2] =	stream.indirect.gather [spmem:s2], $0x10, s18, s16, $0xb8;
	[tilespmem:$0xD620] =	vst v63  }
0x2d: {  	_ =	swait.ge [sflag:s20], $0x7D0  }
0x2e: {  	[sflag:s20] =	ssyncset.done $0x0  }
0x2f: {  	s29 =	simm.s32 $0x2800;
	[sflag:s20] =	ssyncadd.s32 $0xFFFFF830  }
0x30: {  	[spmem:s3] =	stream.indirect.scatter.add.f32 [tilespmem:s17], [sflag:$0x3], $0x10, s29, s16, $0xb8;
	[tilespmem:$0xD620] =	vst v63  }
0x31: {  	_ =	swait.ge [sflag:s11], $0x7D0  }
0x32: {  	[sflag:s11] =	ssyncset.done $0x0  }
0x33: {  	s30 =	simm.s32 $0x100;
	[sflag:s11] =	ssyncadd.s32 $0xFFFFF830  }
0x34: {  	[tilespmem:s17], [sflag:$0x1] =	stream.indirect.gather [spmem:s2], $0x10, s30, s16, $0xb8;
	[tilespmem:$0xD620] =	vst v63  }
0x35: {  	_ =	swait.ge [sflag:s21], $0x7D0  }
0x36: {  	[sflag:s21] =	ssyncset.done $0x0  }
0x37: {  	s31 =	simm.s32 $0x2880;
	[sflag:s21] =	ssyncadd.s32 $0xFFFFF830  }
0x38: {  	[spmem:s3] =	stream.indirect.scatter.add.f32 [tilespmem:s19], [sflag:$0x3], $0x10, s31, s16, $0xb8;
	[tilespmem:$0xD620] =	vst v63  }
0x39: {  	_ =	swait.ge [sflag:s11], $0x7D0  }
0x3a: {  	[sflag:s11] =	ssyncset.done $0x0  }
0x3b: {  	s28 =	simm.s32 $0x180;
	s26 =	simm.s32 $0x400;
	[sflag:s11] =	ssyncadd.s32 $0xFFFFF830  }
.LBB2_4:
0x3c: {  	[tilespmem:s19], [sflag:$0x2] =	stream.indirect.gather [spmem:s2], $0x10, s28, s16, $0xb8;
	[tilespmem:$0xD620] =	vst v63  }
0x3d: {  	s28 =	smov.u32 s26  }
0x3e: {  	p0 =	sne.s32 s26, $0x9800;
	s26 =	sadd.s32 $0x400, s26;
	_ =	swait.ge [sflag:s20], $0x7D0  }
0x3f: {  	s28 =	sshra.s32 s28, $0x2;
	[sflag:s20] =	ssyncset.done $0x0  }
0x40: {  	s29 =	sadd.s32 $0x2800, s28;
	[sflag:s20] =	ssyncadd.s32 $0xFFFFF830  }
0x41: {  	[spmem:s3] =	stream.indirect.scatter.add.f32 [tilespmem:s17], [sflag:$0x3], $0x10, s29, s16, $0xb8;
	[tilespmem:$0xD620] =	vst v63  }
0x42: {  	_ =	swait.ge [sflag:s11], $0x7D0  }
0x43: {  	[sflag:s11] =	ssyncset.done $0x0  }
0x44: {  	s29 =	sadd.s32 $0x100, s28;
	[sflag:s11] =	ssyncadd.s32 $0xFFFFF830  }
0x45: {  	[tilespmem:s17], [sflag:$0x1] =	stream.indirect.gather [spmem:s2], $0x10, s29, s16, $0xb8;
	[tilespmem:$0xD620] =	vst v63  }
0x46: {  	_ =	swait.ge [sflag:s21], $0x7D0  }
0x47: {  	[sflag:s21] =	ssyncset.done $0x0  }
.Ltmp1:
0x48: {  	s29 =	sadd.s32 $0x2880, s28;
	[sflag:s21] =	ssyncadd.s32 $0xFFFFF830;
	(pc) =	sbr.rel @p0 .LBB2_4-.Ltmp1, $4  }
0x49: {  	[spmem:s3] =	stream.indirect.scatter.add.f32 [tilespmem:s19], [sflag:$0x3], $0x10, s29, s16, $0xb8;
	[tilespmem:$0xD620] =	vst v63  }
0x4a: {  	_ =	swait.ge [sflag:s11], $0x7D0  }
0x4b: {  	[sflag:s11] =	ssyncset.done $0x0  }
0x4c: {  	s28 =	sadd.s32 $0x180, s28;
	[sflag:s11] =	ssyncadd.s32 $0xFFFFF830  }
0x4d: {  	[tilespmem:s19], [sflag:$0x2] =	stream.indirect.gather [spmem:s2], $0x10, s28, s16, $0xb8;
	[tilespmem:$0xD620] =	vst v63  }
0x4e: {  	_ =	swait.ge [sflag:s20], $0x7D0  }
0x4f: {  	[sflag:s20] =	ssyncset.done $0x0  }
0x50: {  	[sflag:s20] =	ssyncadd.s32 $0xFFFFF830  }
0x51: {  	[spmem:s3] =	stream.indirect.scatter.add.f32 [tilespmem:s17], [sflag:$0x3], $0x10, s22, s16, $0xb8;
	[tilespmem:$0xD620] =	vst v63  }
0x52: {  	_ =	swait.ge [sflag:s11], $0x7D0  }
0x53: {  	[sflag:s11] =	ssyncset.done $0x0  }
0x54: {  	[sflag:s11] =	ssyncadd.s32 $0xFFFFF830  }
0x55: {  	_ =	swait.ge [sflag:s21], $0x7D0  }
0x56: {  	[sflag:s21] =	ssyncset.done $0x0  }
0x57: {  	[sflag:s21] =	ssyncadd.s32 $0xFFFFF830  }
0x58: {  	[spmem:s3] =	stream.indirect.scatter.add.f32 [tilespmem:s19], [sflag:$0x3], $0x10, s23, s16, $0xb8;
	[tilespmem:$0xD620] =	vst v63  }
0x59: {  	_ =	swait.ge [sflag:s11], $0x7D0  }
0x5a: {  	s25 =	sadd.s32 $0x1, s25;
	[sflag:s11] =	ssyncset.done $0x0  }
0x5b: {  	p0 =	sne.s32 s25, s10;
	[sflag:s11] =	ssyncadd.s32 $0xFFFFF830  }
.Ltmp2:
0x5c: {  	[bflag:$0x0] =	sbarrier.arrive $0xFFFF;
	(pc) =	sbr.rel @p0 .LBB2_1-.Ltmp2, $4  }
0x5d: {  	[hbm:s9], [sflag:s13] =	dma.local [spmem:s24], $0x4F0  }
0x5e: {  	_ =	swait.ge [sflag:s11], $0x4F0  }
0x5f: {  	[sflag:s11] =	ssyncset.done $0x0  }
0x60: {  	[sflag:s11] =	ssyncadd.s32 $0xFFFFFB10  }
0x61: {  	_ =	sfence.sel $0x180000  }
0x62: {  	[bflag:$0x0] =	sbarrier.arrive $0xFFFF  }
0x63: {  	p0 =	sne.s32 s1, $0x0;
	_ =	strace $0x9000004D  }
0x64: {  	s0 =	sadd.s32 @!p0 $0x100000, s0;
	[bflag:$0x2] =	sbarrier.arrive $0xFFFF  }
0x65: {  	[sflag:s0] =	ssyncadd.tile.s32 @!p0 $0x1;
	_ =	shalt  }
.Lfunc_end2:
_tile_overlayer_lowered:
.L_overlay_start_2:
0x66: {  	(tag) =	ssettag $0x2  }
0x67: {  	s0 =	rddreg [dreg:$0x0];
	s2 =	stileid.u32  }
0x68: {  	s1 =	rddreg [dreg:$0x1];
	p0 =	sne.s32 s2, $0x0  }
0x69: {  	s3 =	rddreg [dreg:$0x2];
	[bflag:$0x3] =	sbarrier.arrive $0xFFFF;
	s2 =	simm.s32 @!p0 $0x1C03  }
0x6a: {  	[timem:s3], [sflag:s2] =	dma.local @!p0 [hbm:s0], s1  }
0x6b: {  	s0 =	simm.s32 @!p0 $0x3  }
0x6c: {  	_ =	swait.ge @!p0 [sflag:s0], s1  }
0x6d: {  	s1 =	ssub.s32 @!p0 $0x0, s1;
	[sflag:s0] =	ssyncset.done @!p0 $0x0  }
0x6e: {  	[sflag:s0] =	ssyncadd.s32 @!p0 s1  }
0x6f: {  	[bflag:$0x3] =	sbarrier.arrive $0xFFFF  }
0x70: {  	_ =	shalt  }

// kernel: kernel.8.cloned.1.call-start
scs
__scs_entry_jumppad:
0x0: {  	(pc) =	sbr.rel $0x88, $3  }
0x1: {  	(tag) =	ssettag $0x0;
	lr =	simm.s32 $0x1  }
0x2: {  	[smem:$0x3F9B] =	sst lr;
	_ =	strace $0xD0000000  }
0x3: {  	_ = 	snop  }
0x4: {  	_ = 	snop  }
0x5: {  	_ = 	snop  }
0x6: {  	_ = 	snop  }
0x7: {  	_ = 	snop  }
__scs_overlays_trampoline_lowered:
0x8: {  	[smem:$0x3FAA] =	sst s0  }
0x9: {  	[smem:$0x3FAB] =	sst s1  }
0xa: {  	[smem:$0x3FAC] =	sst s2  }
0xb: {  	[smem:$0x3FAD] =	sst s3  }
0xc: {  	[smem:$0x3FAE] =	sst s4  }
0xd: {  	[smem:$0x3FAF] =	sst s5  }
0xe: {  	[smem:$0x3FB0] =	sst s6  }
0xf: {  	[smem:$0x3FB1] =	sst s7  }
0x10: {  	[smem:$0x3FB2] =	sst s8  }
0x11: {  	[smem:$0x3FB3] =	sst s9;
	s0 =	simm.s32 @!p0 $0x0  }
0x12: {  	s1 =	sld [smem:$0x3F99];
	s0 =	simm.s32 @p0 $0x1  }
0x13: {  	[smem:$0x3FB4] =	sst s0;
	s0 =	simm.s32 @!p1 $0x0  }
0x14: {  	s2 =	sld [smem:$0x3F98];
	s0 =	simm.s32 @p1 $0x1  }
0x15: {  	[smem:$0x3FB5] =	sst s0;
	s0 =	simm.s32 @!p2 $0x0  }
0x16: {  	s3 =	sld [smem:$0x3FDB];
	s0 =	simm.s32 @p2 $0x1  }
0x17: {  	s4 =	simm.s32 $0x1BF5;
	[smem:$0x3FB7] =	sst s0  }
0x18: {  	s0 =	sld [smem:$0x3F9A];
	_ =	swait.ge [sflag:s4], $0x0  }
0x19: {  	s7 =	sld [smem:$0x3F9B]  }
0x1a: {  	s8 =	sadd.s32 $0xFFFFE003, lr  }
0x1b: {  	s9 =	sadd.s32 $0xFFFFFEF7, lr;
	s5 =	simm.s32 $0xFFFFFFFF;
	p2 =	slt.u32 s8, $0xFFFFF086  }
0x1c: {  	p1 =	slt.u32 s9, $0xF7A;
	s5 =	simm.s32 @!p2 $0x0  }
0x1d: {  	s5 =	simm.s32 @p1 $0x1;
	p0 =	seq.s32 s7, s2  }
0x1e: {  	s7 =	smul.u32 @!p0 $0xF7A, s2;
	p2 =	seq.s32 @!p0 s5, $0x0  }
0x1f: {  	s9 =	smul.u32 $0xF7A, s1;
	s8 =	simm.s32 @!p0 $0x1BF5;
	p2 =	por !p2, p0  }
0x20: {  	[sflag:s8] =	ssyncset.s32 @!p0 $0xFFFFF086;
	s6 =	sadd.s32 @!p0 s3, s7;
	s7 =	simm.s32 @!p0 $0x108  }
0x21: {  	s3 =	sadd.s32 s3, s9;
	s6 =	sadd.s32 @!p0 $0x88, s6;
	s7 =	simm.s32 @p2 $0x1082  }
0x22: {  	[simem:s7], [sflag:s8] =	dma.local @!p0 [hbm:s6], $0xF7A  }
0x23: {  	s9 =	sor.u32 $0xD0000000, s2;
	s6 =	simm.s32 $0x108;
	_ =	swait.ge @!p0 [sflag:s8], $0x0  }
0x24: {  	s3 =	sadd.s32 $0x88, s3;
	s6 =	simm.s32 @!p1 $0x1082;
	[sflag:s4] =	ssyncset.s32 $0xFFFFF086  }
0x25: {  	[simem:s6], [sflag:s4] =	dma.local [hbm:s3], $0xF7A  }
0x26: {  	[smem:$0x3F9B] =	sst s1;
	(tag) =	ssettag s2;
	_ =	strace s9  }
0x27: {  	s1 =	sld [smem:$0x3FAB]  }
0x28: {  	s2 =	sld [smem:$0x3FAC]  }
0x29: {  	s4 =	sld [smem:$0x3FAE]  }
0x2a: {  	p0 =	seq.s32 s5, $0x0;
	s5 =	sld [smem:$0x3FAF]  }
0x2b: {  	s6 =	sld [smem:$0x3FB0]  }
0x2c: {  	s7 =	sld [smem:$0x3FB1]  }
0x2d: {  	s3 =	simm.s32 $0x108;
	s8 =	sld [smem:$0x3FB2]  }
0x2e: {  	s3 =	simm.s32 @!p0 $0x1082;
	s9 =	sld [smem:$0x3FB3]  }
0x2f: {  	lr =	sadd.s32 s0, s3;
	s0 =	sld [smem:$0x3FAA]  }
0x30: {  	s3 =	sld [smem:$0x3FAD]  }
0x31: {  	[smem:$0x3FB6] =	sst s10  }
0x32: {  	s10 =	sld [smem:$0x3FB4];
	_ =	sdelay $0x3  }
0x33: {  	p0 =	seq.s32 s10, $0x1;
	s10 =	sld [smem:$0x3FB6];
	_ =	sdelay $0x3  }
0x34: {  	[smem:$0x3FB6] =	sst s10  }
0x35: {  	s10 =	sld [smem:$0x3FB5];
	_ =	sdelay $0x3  }
0x36: {  	p1 =	seq.s32 s10, $0x1;
	s10 =	sld [smem:$0x3FB6];
	_ =	sdelay $0x3  }
0x37: {  	[smem:$0x3FB6] =	sst s10  }
0x38: {  	s10 =	sld [smem:$0x3FB7]  }
0x39: {  	_ = 	snop;
	(pc) =	sbr.ind lr, $3  }
0x3a: {  	_ = 	snop  }
0x3b: {  	_ = 	snop  }
0x3c: {  	p2 =	seq.s32 s10, $0x1;
	s10 =	sld [smem:$0x3FB6]  }
0x3d: {  	_ =	shalt  }
0x3e: {  	_ =	shalt  }
0x3f: {  	_ =	shalt  }
0x40: {  	_ =	shalt  }
0x41: {  	_ =	shalt  }
0x42: {  	_ =	shalt  }
0x43: {  	_ =	shalt  }
0x44: {  	_ =	shalt  }
0x45: {  	_ =	shalt  }
0x46: {  	_ =	shalt  }
0x47: {  	_ =	shalt  }
0x48: {  	_ =	shalt  }
0x49: {  	_ =	shalt  }
0x4a: {  	_ =	shalt  }
0x4b: {  	_ =	shalt  }
0x4c: {  	_ =	shalt  }
0x4d: {  	_ =	shalt  }
0x4e: {  	_ =	shalt  }
0x4f: {  	_ =	shalt  }
0x50: {  	_ =	shalt  }
0x51: {  	_ =	shalt  }
0x52: {  	_ =	shalt  }
0x53: {  	_ =	shalt  }
0x54: {  	_ =	shalt  }
0x55: {  	_ =	shalt  }
0x56: {  	_ =	shalt  }
0x57: {  	_ =	shalt  }
0x58: {  	_ =	shalt  }
0x59: {  	_ =	shalt  }
0x5a: {  	_ =	shalt  }
0x5b: {  	_ =	shalt  }
0x5c: {  	_ =	shalt  }
0x5d: {  	_ =	shalt  }
0x5e: {  	_ =	shalt  }
0x5f: {  	_ =	shalt  }
0x60: {  	_ =	shalt  }
0x61: {  	_ =	shalt  }
0x62: {  	_ =	shalt  }
0x63: {  	_ =	shalt  }
0x64: {  	_ =	shalt  }
0x65: {  	_ =	shalt  }
0x66: {  	_ =	shalt  }
0x67: {  	_ =	shalt  }
0x68: {  	_ =	shalt  }
0x69: {  	_ =	shalt  }
0x6a: {  	_ =	shalt  }
0x6b: {  	_ =	shalt  }
0x6c: {  	_ =	shalt  }
0x6d: {  	_ =	shalt  }
0x6e: {  	_ =	shalt  }
0x6f: {  	_ =	shalt  }
0x70: {  	_ =	shalt  }
0x71: {  	_ =	shalt  }
0x72: {  	_ =	shalt  }
0x73: {  	_ =	shalt  }
0x74: {  	_ =	shalt  }
0x75: {  	_ =	shalt  }
0x76: {  	_ =	shalt  }
0x77: {  	_ =	shalt  }
0x78: {  	_ =	shalt  }
0x79: {  	_ =	shalt  }
0x7a: {  	_ =	shalt  }
0x7b: {  	_ =	shalt  }
0x7c: {  	_ =	shalt  }
0x7d: {  	_ =	shalt  }
0x7e: {  	_ =	shalt  }
0x7f: {  	_ =	shalt  }
0x80: {  	_ =	shalt  }
0x81: {  	_ =	shalt  }
0x82: {  	_ =	shalt  }
0x83: {  	_ =	shalt  }
0x84: {  	_ =	shalt  }
0x85: {  	_ =	shalt  }
0x86: {  	_ =	shalt  }
0x87: {  	_ =	shalt  }
.Lfunc_end0:
.L_simem_size_0:
called_computation_lowered:
.L_overlay_start_0:
0x88: {  	s2 =	sld [smem:$0x3FD9]  }
0x89: {  	s3 =	sld [smem:$0x3FFE];
	_ =	sdelay $0x1  }
0x8a: {  	s1 =	srdreg.scid  }
0x8b: {  	s0 =	sand.u32 $0x1, s1  }
0x8c: {  	s16 =	sshll.u32 s0, $0xA;
	s2 =	sadd.s32 s3, s2  }
0x8d: {  	s2 =	sadd.s32 s2, s16  }
0x8e: {  	[smem:$0x3FC2] =	sst s2  }
0x8f: {  	_ = 	snop  }
0x90: {  	(tm) =	ssettm $0x1  }
0x91: {  	s17 =	sld [smem:$0x3FFB];
	_ =	sdelay $0x3  }
0x92: {  	_ =	strace s17  }
0x93: {  	s2 =	sld [smem:$0x3FFC];
	_ =	sdelay $0x3  }
0x94: {  	_ =	strace s2  }
0x95: {  	s2 =	sld [smem:$0x3FFD];
	_ =	sdelay $0x3  }
0x96: {  	_ =	strace s2  }
0x97: {  	_ =	strace $0x8FFFFFFF  }
0x98: {  	s18 =	sld [smem:$0x3FDB];
	_ =	sdelay $0x1  }
0x99: {  	s19 =	simm.s32 $_scs_section_size  }
0x9a: {  	s4 =	simm.s32 $_size__tile_overlayer_lowered;
	s5 =	simm.s32 $_tile_overlayer_lowered  }
0x9b: {  	s22 =	simm.s32 $0x1BFF;
	s21 =	sshll.u32 s5, $0x1;
	s2 =	sadd.s32 s19, s18  }
0x9c: {  	s6 =	simm.s32 $0x0;
	s20 =	sshll.u32 s4, $0x1;
	s4 =	sadd.s32 s21, s2  }
0x9d: {  	[timem:s6], [sflag:s22] =	dma.local [hbm:s4], s20  }
0x9e: {  	_ =	swait.ge [sflag:s22], s20  }
0x9f: {  	s3 =	ssub.s32 $0x0, s20;
	[sflag:s22] =	ssyncset.done $0x0  }
0xa0: {  	[sflag:s22] =	ssyncadd.s32 s3;
	_ =	sdelay $0x1  }
0xa1: {  	s23 =	simm.s32 $0x1B8B  }
0xa2: {  	_ =	swait.ge [sflag:s23], $0x1  }
0xa3: {  	[sflag:s23] =	ssyncset.done $0x0  }
0xa4: {  	s25 =	simm.s32 $0x1B8E;
	s24 =	sld [smem:$0x3FFE];
	[sflag:s23] =	ssyncadd.s32 $0xFFFFFFFF  }
0xa5: {  	s26 =	simm.s32 $execute0_lowered;
	[smem:$0x3FD2] =	sst s25  }
0xa6: {  	s4 =	sshll.u32 s26, $0x1;
	_ =	strace $0x80000046;
	[dreg:$0x1] =	wrdreg $0xFFFFFFFF  }
0xa7: {  	s28 =	simm.s32 $_size_execute0_lowered;
	s2 =	sadd.s32 s2, s4;
	[dreg:$0x0] =	wrdreg $0x0  }
0xa8: {  	s4 =	sshll.u32 s28, $0x1;
	[dreg:$0x2] =	wrdreg s2  }
0xa9: {  	[dreg:$0x3] =	wrdreg s4  }
0xaa: {  	[dreg:$0x4] =	wrdreg $0xC0  }
0xab: {  	_ =	task [dreg:s6], $0x5FFFF  }
0xac: {  	[dreg:$0x1] =	wrdreg $0xFFFFFFFF  }
0xad: {  	[dreg:$0x0] =	wrdreg $0x60  }
0xae: {  	[dreg:$0x2] =	wrdreg s24  }
0xaf: {  	[dreg:$0x3] =	wrdreg $0x9  }
0xb0: {  	_ =	task.clear_ibuf [dreg:s6], $0x4FFFF;
	_ =	strace $0x90000046  }
0xb1: {  	s29 =	simm.s32 $0x9;
	_ =	strace $0x80000048  }
0xb2: {  	_ =	swait.ge [sflag:s29], $0x1  }
0xb3: {  	[sflag:s29] =	ssyncadd.s32 $0xFFFFFFFF  }
0xb4: {  	_ =	strace $0x90000048  }
0xb5: {  	_ =	sfence  }
0xb6: {  	s30 =	sld [smem:$0x0];
	_ =	sdelay $0x2  }
0xb7: {  	s31 =	sshll.u32 s1, $0xD;
	s1 =	sshrl.u32 s1, $0x2  }
0xb8: {  	s3 =	sand.u32 $0x4000, s31;
	s1 =	sadd.s32 s1, s30  }
0xb9: {  	s0 =	sor.u32 s3, s0;
	s1 =	sshll.u32 s1, $0x11  }
0xba: {  	s0 =	sor.u32 s1, s0  }
0xbb: {  	s0 =	sadd.s32 $0x8F2B, s0  }
0xbc: {  	[sflag:s0] =	ssyncadd.remote.s32 $0x1  }
0xbd: {  	_ =	sfence.sel $0xFFFF  }
0xbe: {  	[dreg:$0x0] =	wrdreg $0xFFFFFFFF;
	(pc) =	sbr.abs _section_cstart, $3  }
0xbf: {  	[dreg:$0x1] =	wrdreg $0xFFFFFFFF  }
0xc0: {  	_ =	task.clear_ibuf [dreg:s6], $0x2FFFF;
	_ =	strace $0x9FFFFFFF  }
0xc1: {  	(tm) =	ssettm $0x7FFFFFFF  }
tec
execute0_lowered:
.L_overlay_start_1:
0x0: {  	(tag) =	ssettag $0x1  }
0x1: {  	s0 =	srdreg.scid  }
0x2: {  	s3 =	sand.u32 $0x1, s0  }
0x3: {  	s4 =	rddreg [dreg:$0x0];
	s0 =	stileid.u32;
	s1 =	sshll.u32 s3, $0x4  }
0x4: {  	s2 =	simm.s32 $0x0;
	s8 =	simm.s32 $0x0;
	s5 =	sor.u32 s0, s1  }
0x5: {  	[smem:$0x7FF] =	sst s2;
	s3 =	ssub.s32 $0x2, s3;
	s6 =	smul.u32 $0x2780, s5  }
0x6: {  	s1 =	rddreg [dreg:$0x1];
	s7 =	sshrl.u32 s3, $0x1;
	s5 =	smul.u32 $0x4E2, s5  }
0x7: {  	_ =	strace $0x80000047;
	s31 =	ssub.s32 s3, s7;
	s7 =	simm.s32 $0x13C00  }
0x8: {  	s6 =	sadd.s32 s6, s4;
	s4 =	sadd.s32 s5, s4;
	s5 =	smax.u32 s31, $0x1  }
0x9: {  	v0 =	vimm.f32 $0.0e+00;
	v1 =	vimm.f32 $1.000000000e+00;
	s3 =	sadd.s32 $0x1600, s6;
	s4 =	sadd.s32 $0x50600, s4;
	s6 =	simm.s32 $0x1  }
.LBB2_1:
0xa: {  	[tilespmem:s2], [sflag:$0x1] =	stream.linear.gather [hbm4b:s3+s2], $0x13880, $0x38;
	[tilespmem:$0x16380] =	vst v63  }
0xb: {  	_ =	swait.ge [sflag:s6], $0x13880  }
0xc: {  	[sflag:s6] =	ssyncset.done $0x0  }
0xd: {  	s9 =	simm.s32 $0x0;
	[sflag:s6] =	ssyncadd.s32 $0xFFFEC780  }
.LBB2_2:
0xe: {  	p0 =	sne.s32 s9, $0x9C00  }
.Ltmp0:
0xf: {  	_ = 	snop;
	(pc) =	sbr.rel @p0 .LBB2_2-.Ltmp0, $3  }
0x10: {  	_ =	sdelay $0x1  }
0x11: {  	s10 =	sshra.s32 s9, $0x2  }
0x12: {  	s9 =	sadd.s32 $0x40, s9;
	[tilespmem:s10+$0x13C00] =	vst v0  }
0x13: {  	s10 =	simm.s32 $0x0;
	s9 =	simm.s32 $0x200  }
.LBB2_4:
0x14: {  	p0 =	sne.s32 s9, $0x4E000;
	v2 =	vld [tilespmem:s10+$0x0];
	_ =	sdelay $0x3  }
.Ltmp1:
0x15: {  	(pc) =	sbr.rel @p0 .LBB2_4-.Ltmp1, $2  }
0x16: {  	_ =	sdelay $0x2  }
0x17: {  	s10 =	sshra.s32 s9, $0x2;
	s9 =	sadd.s32 $0x200, s9;
	[tilespmem:v2+s7+$0x0] =	vst.idx.add.f32.msk $0xffff, v1  }
0x18: {  	v2 =	vld [tilespmem:s10+$0x0];
	_ =	sdelay $0x5  }
0x19: {  	s8 =	sadd.s32 $0x1, s8  }
0x1a: {  	p0 =	sne.s32 s8, s5  }
.Ltmp2:
0x1b: {  	[tilespmem:v2+s7+$0x0] =	vst.idx.add.f32.msk $0xffff, v1;
	(pc) =	sbr.rel @p0 .LBB2_1-.Ltmp2, $4  }
0x1c: {  	[hbm4b:s4+s2] =	stream.linear.scatter [tilespmem:s7], [sflag:$0x1], $0x2710, $0x38;
	[tilespmem:$0x16380] =	vst v63  }
0x1d: {  	_ =	swait.ge [sflag:s6], $0x2710  }
0x1e: {  	[sflag:s6] =	ssyncset.done $0x0  }
0x1f: {  	[sflag:s6] =	ssyncadd.s32 $0xFFFFD8F0  }
0x20: {  	_ =	sfence.sel $0x180000  }
0x21: {  	[bflag:$0x0] =	sbarrier.arrive $0xFFFF  }
0x22: {  	p0 =	sne.s32 s0, $0x0;
	_ =	strace $0x90000047  }
0x23: {  	s0 =	sadd.s32 @!p0 $0x100000, s1;
	[bflag:$0x2] =	sbarrier.arrive $0xFFFF  }
0x24: {  	[sflag:s0] =	ssyncadd.tile.s32 @!p0 $0x1;
	_ =	shalt  }
.Lfunc_end2:
_tile_overlayer_lowered:
.L_overlay_start_2:
0x25: {  	(tag) =	ssettag $0x2  }
0x26: {  	s0 =	rddreg [dreg:$0x0];
	s2 =	stileid.u32  }
0x27: {  	s1 =	rddreg [dreg:$0x1];
	p0 =	sne.s32 s2, $0x0  }
0x28: {  	s3 =	rddreg [dreg:$0x2];
	[bflag:$0x3] =	sbarrier.arrive $0xFFFF;
	s2 =	simm.s32 @!p0 $0x1C01  }
0x29: {  	[timem:s3], [sflag:s2] =	dma.local @!p0 [hbm:s0], s1  }
0x2a: {  	s0 =	simm.s32 @!p0 $0x1  }
0x2b: {  	_ =	swait.ge @!p0 [sflag:s0], s1  }
0x2c: {  	s1 =	ssub.s32 @!p0 $0x0, s1;
	[sflag:s0] =	ssyncset.done @!p0 $0x0  }
0x2d: {  	[sflag:s0] =	ssyncadd.s32 @!p0 s1  }
0x2e: {  	[bflag:$0x3] =	sbarrier.arrive $0xFFFF  }
0x2f: {  	_ =	shalt  }

</sc_bundles>
